<compile_context>
chip_gen: v7x
topology: tpu7x:2x2x1
jax: 0.10.2.dev20260603
libtpu: 0.0.44.dev20260713+nightly
codegen_flags: <defaults>
</compile_context>

<pallas_src>
import functools

import jax
import jax.numpy as jnp
from jax import lax
from jax.experimental import pallas as pl
from jax.experimental.pallas import tpu as pltpu
from jax.experimental.pallas import tpu_sc as plsc

_N = 10000
_E = 320000
_D = 128

_NP = 10240
_ROWS_PER_TILE = _NP // 16
_CHUNK = 128
_NW = 32
_CPW = 80
_EP = _NW * _CPW * _CHUNK

_mesh = plsc.VectorSubcoreMesh(core_axis_name="c", subcore_axis_name="s")


@functools.partial(
    pl.kernel,
    out_type=jax.ShapeDtypeStruct((2, _NP, _D), jnp.float32),
    mesh=_mesh,
    scratch_types=[
        pltpu.VMEM_SHARED((_NP, _D), jnp.float32),
        pltpu.VMEM((_CPW // 2, _CHUNK), jnp.int32),
        pltpu.VMEM((_CPW // 2, _CHUNK), jnp.int32),
        pltpu.VMEM((_CHUNK, _D), jnp.float32),
        pltpu.VMEM((_CHUNK, _D), jnp.float32),
        pltpu.SemaphoreType.DMA,
        pltpu.SemaphoreType.DMA,
    ],
)
def _sc_agg(h_hbm, src_hbm, dst_hbm, zeros_hbm, out_hbm,
            agg_sh, src_v, dst_v, rows0, rows1, sem0, sem1):
    c = lax.axis_index("c")
    s = lax.axis_index("s")
    wid = c * 16 + s

    row0 = s * _ROWS_PER_TILE

    @pl.when(jnp.logical_and(c == 0, s < 15))
    def _():
        pltpu.async_copy(h_hbm.at[pl.ds(row0, _ROWS_PER_TILE)],
                         agg_sh.at[pl.ds(row0, _ROWS_PER_TILE)], sem1)

    @pl.when(jnp.logical_and(c == 0, s == 15))
    def _():
        pltpu.sync_copy(zeros_hbm.at[pl.ds(_N, _NP - _N)],
                        agg_sh.at[pl.ds(_N, _NP - _N)])
        pltpu.async_copy(h_hbm.at[pl.ds(row0, _N - 15 * _ROWS_PER_TILE)],
                         agg_sh.at[pl.ds(row0, _N - 15 * _ROWS_PER_TILE)],
                         sem1)

    @pl.when(c == 1)
    def _():
        pltpu.async_copy(zeros_hbm.at[pl.ds(row0, _ROWS_PER_TILE)],
                         agg_sh.at[pl.ds(row0, _ROWS_PER_TILE)], sem1)

    half = _CPW // 2

    @pl.loop(0, 2)
    def _(p):
        base = wid * _CPW + p * half
        pltpu.sync_copy(src_hbm.at[pl.ds(base, half)], src_v)
        pltpu.sync_copy(dst_hbm.at[pl.ds(base, half)], dst_v)
        pltpu.async_copy(h_hbm.at[src_v.at[0]], rows0, sem0)

        @pl.when(p == 0)
        def _():
            @pl.when(jnp.logical_or(c == 1, s < 15))
            def _():
                pltpu.make_async_copy(
                    zeros_hbm.at[pl.ds(0, _ROWS_PER_TILE)],
                    agg_sh.at[pl.ds(row0, _ROWS_PER_TILE)], sem1).wait()

            @pl.when(jnp.logical_and(c == 0, s == 15))
            def _():
                pltpu.make_async_copy(
                    zeros_hbm.at[pl.ds(0, _N - 15 * _ROWS_PER_TILE)],
                    agg_sh.at[pl.ds(row0, _N - 15 * _ROWS_PER_TILE)],
                    sem1).wait()

            plsc.subcore_barrier()

        @pl.loop(0, half, step=2)
        def _(j):
            pltpu.async_copy(h_hbm.at[src_v.at[j + 1]], rows1, sem1)
            pltpu.make_async_copy(h_hbm.at[src_v.at[j]], rows0, sem0).wait()
            pltpu.sync_copy(rows0, agg_sh.at[dst_v.at[j]], add=True)

            @pl.when(j + 2 < half)
            def _():
                pltpu.async_copy(h_hbm.at[src_v.at[j + 2]], rows0, sem0)

            pltpu.make_async_copy(h_hbm.at[src_v.at[j + 1]], rows1, sem1).wait()
            pltpu.sync_copy(rows1, agg_sh.at[dst_v.at[j + 1]], add=True)

    plsc.subcore_barrier()

    pltpu.sync_copy(agg_sh.at[pl.ds(row0, _ROWS_PER_TILE)],
                    out_hbm.at[c, pl.ds(row0, _ROWS_PER_TILE)])


def _mlp_body(a_ref, w1_ref, b1_ref, w2_ref, b2_ref, o_ref):
    t = a_ref[0] + a_ref[1]
    t = jnp.dot(t, w1_ref[...], preferred_element_type=jnp.float32) + b1_ref[...]
    t = jnp.maximum(t, 0.0)
    o_ref[...] = (
        jnp.dot(t, w2_ref[...], preferred_element_type=jnp.float32) + b2_ref[...]
    )


_ROW_BLK = 2000


def _mlp(agg, w1, b1, w2, b2):
    grid = (_N // _ROW_BLK,)
    fixed = lambda i: (0, 0)
    return pl.pallas_call(
        _mlp_body,
        grid=grid,
        in_specs=[
            pl.BlockSpec((2, _ROW_BLK, _D), lambda i: (0, i, 0)),
            pl.BlockSpec((_D, _D), fixed),
            pl.BlockSpec((1, _D), fixed),
            pl.BlockSpec((_D, _D), fixed),
            pl.BlockSpec((1, _D), fixed),
        ],
        out_specs=pl.BlockSpec((_ROW_BLK, _D), lambda i: (i, 0)),
        out_shape=jax.ShapeDtypeStruct((_N, _D), jnp.float32),
    )(agg, w1, b1, w2, b2)


def kernel(x, edge_index, W1_0, b1_0, W2_0, b2_0, W1_1, b1_1, W2_1, b2_1,
           W1_2, b1_2, W2_2, b2_2):
    params = [
        (W1_0, b1_0, W2_0, b2_0),
        (W1_1, b1_1, W2_1, b2_1),
        (W1_2, b1_2, W2_2, b2_2),
    ]
    npad = _EP - _E
    pad_iota = jnp.arange(npad, dtype=jnp.int32)
    src2d = jnp.concatenate(
        [edge_index[0], pad_iota % _N]).reshape(-1, _CHUNK)
    dst2d = jnp.concatenate(
        [edge_index[1], _N + pad_iota % (_NP - _N)]).reshape(-1, _CHUNK)
    zeros = jnp.zeros((_NP, _D), jnp.float32)
    h = x
    for (W1, b1, W2, b2) in params:
        agg = _sc_agg(h, src2d, dst2d, zeros)
        h = _mlp(agg, W1, b1.reshape(1, _D), W2, b2.reshape(1, _D))
    return h

# --- scband reference (transcript-rebuilt; emitter-appended) ---
"""Pipeline reference for scband-gin-57870389346580 (READ-ONLY COPY).

The authoritative reference and input builder live on the scoring server;
editing this copy changes nothing except your own understanding.
"""

import jax, jax.numpy as jnp
import numpy as np

N = 10000
E = 320000
D_IN = 128
D_HID = 128
D_OUT = 128

# layer dims for num_layers=3: (128->128), (128->128), (128->128)
LAYER_DIMS = [(D_IN, D_HID), (D_HID, D_HID), (D_HID, D_OUT)]


def setup_inputs(seed: int = 0) -> dict:
    key = jax.random.key(seed)
    ks = jax.random.split(key, 2 + 4 * len(LAYER_DIMS))
    x = jax.random.normal(ks[0], (N, D_IN), dtype=jnp.float32)
    edge_index = jax.random.randint(ks[1], (2, E), 0, N, dtype=jnp.int32)
    inp = {"x": x, "edge_index": edge_index}
    ki = 2
    for i, (din, dout) in enumerate(LAYER_DIMS):
        inp[f"W1_{i}"] = jax.random.normal(ks[ki], (din, dout), dtype=jnp.float32) * (1.0 / np.sqrt(din)); ki += 1
        inp[f"b1_{i}"] = jax.random.normal(ks[ki], (dout,), dtype=jnp.float32) * 0.01; ki += 1
        inp[f"W2_{i}"] = jax.random.normal(ks[ki], (dout, dout), dtype=jnp.float32) * (1.0 / np.sqrt(dout)); ki += 1
        inp[f"b2_{i}"] = jax.random.normal(ks[ki], (dout,), dtype=jnp.float32) * 0.01; ki += 1
    return inp


def reference(x, edge_index, W1_0, b1_0, W2_0, b2_0, W1_1, b1_1, W2_1, b2_1, W1_2, b1_2, W2_2, b2_2):
    params = [
        (W1_0, b1_0, W2_0, b2_0),
        (W1_1, b1_1, W2_1, b2_1),
        (W1_2, b1_2, W2_2, b2_2),
    ]
    src = edge_index[0]
    dst = edge_index[1]
    h = x
    for (W1, b1, W2, b2) in params:
        # GINConv with eps=0: out = MLP(x + sum_{j in N(i)} x_j)
        msgs = jnp.take(h, src, axis=0)
        agg = jax.ops.segment_sum(msgs, dst, num_segments=N)
        s = h + agg
        s = jnp.maximum(s @ W1 + b1, 0.0)
        h = s @ W2 + b2
    return h

if __name__ == "__main__":
    import jax
    _d = setup_inputs()
    print(jax.jit(kernel)(*tuple(_d.values())))

</pallas_src>

<mosaic_0001>
#map = affine_map<(d0, d1) -> (0, 0)>
#map1 = affine_map<(d0, d1) -> (0, 0, 0)>
module attributes {stable_mosaic.version = 14 : i64} {
  func.func @_sc_agg(%arg0: i32, %arg1: i32, %arg2: memref<10000x128xf32, #tpu.memory_space<hbm>>, %arg3: memref<2560x128xi32, #tpu.memory_space<hbm>>, %arg4: memref<2560x128xi32, #tpu.memory_space<hbm>>, %arg5: memref<10240x128xf32, #tpu.memory_space<hbm>>, %arg6: memref<2x10240x128xf32, #tpu.memory_space<hbm>>, %arg7: memref<10240x128xf32, #tpu.memory_space<vmem_shared>>, %arg8: memref<40x128xi32, #tpu.memory_space<vmem>>, %arg9: memref<40x128xi32, #tpu.memory_space<vmem>>, %arg10: memref<128x128xf32, #tpu.memory_space<vmem>>, %arg11: memref<128x128xf32, #tpu.memory_space<vmem>>, %arg12: memref<!tpu.dma_semaphore, #tpu.memory_space<semaphore_mem>>, %arg13: memref<!tpu.dma_semaphore, #tpu.memory_space<semaphore_mem>>) attributes {dimension_semantics = [#tpu.dimension_semantics<core_parallel>, #tpu.dimension_semantics<subcore_parallel>], iteration_bounds = array<i64: 2, 16>, scalar_prefetch = 0 : i64, scratch_operands = 7 : i64, tpu.core_type = #tpu.core_type<sc_vector_subcore>, window_params = [{transform_indices = #map}, {transform_indices = #map}, {transform_indices = #map}, {transform_indices = #map}, {transform_indices = #map1}]} {
    %mul3A = arith.constant 16 : i32
    %mul3A_0 = arith.muli %arg0, %mul3A : i32
    %add3A = arith.addi %mul3A_0, %arg1 : i32
    %mul3A_1 = arith.constant 640 : i32
    %mul3A_2 = arith.muli %arg1, %mul3A_1 : i32
    %eq3A = arith.constant 0 : i32
    %eq3A_3 = arith.cmpi eq, %arg0, %eq3A : i32
    %lt3A = arith.constant 15 : i32
    %lt3A_4 = arith.cmpi slt, %arg1, %lt3A : i32
    %and3A = arith.andi %eq3A_3, %lt3A_4 : i1
    %convert_element_type3A = arith.extui %and3A : i1 to i32
    %cond3A = arith.constant 0 : i32
    %cond3A_5 = arith.cmpi ne, %convert_element_type3A, %cond3A : i32
    scf.if %cond3A_5 {
      %dma_start3A = arith.constant 0 : i32
      %dma_start3A_23 = tpu.memref_slice %arg7[%mul3A_2, %dma_start3A] : memref<10240x128xf32, #tpu.memory_space<vmem_shared>> -> memref<640x128xf32, #tpu.memory_space<vmem_shared>>
      %dma_start3A_24 = arith.constant 0 : i32
      %dma_start3A_25 = tpu.memref_slice %arg2[%mul3A_2, %dma_start3A_24] : memref<10000x128xf32, #tpu.memory_space<hbm>> -> memref<640x128xf32, #tpu.memory_space<hbm>>
      tpu.enqueue_dma source(%dma_start3A_25 : memref<640x128xf32, #tpu.memory_space<hbm>>) target(%dma_start3A_23 : memref<640x128xf32, #tpu.memory_space<vmem_shared>>) target_semaphore(%arg13 : memref<!tpu.dma_semaphore, #tpu.memory_space<semaphore_mem>>)
    } else {
    }
    %eq3A_6 = arith.constant 0 : i32
    %eq3A_7 = arith.cmpi eq, %arg0, %eq3A_6 : i32
    %eq3A_8 = arith.constant 15 : i32
    %eq3A_9 = arith.cmpi eq, %arg1, %eq3A_8 : i32
    %and3A_10 = arith.andi %eq3A_7, %eq3A_9 : i1
    %convert_element_type3A_11 = arith.extui %and3A_10 : i1 to i32
    %cond3A_12 = arith.constant 0 : i32
    %cond3A_13 = arith.cmpi ne, %convert_element_type3A_11, %cond3A_12 : i32
    scf.if %cond3A_13 {
      "tpu.region"() ({
        %run_scoped3A = tpu.sem_alloc : memref<!tpu.dma_semaphore, #tpu.memory_space<semaphore_mem>>
        %dma_start3A_26 = arith.constant 10000 : i32
        %dma_start3A_27 = arith.constant 0 : i32
        %dma_start3A_28 = tpu.memref_slice %arg7[%dma_start3A_26, %dma_start3A_27] : memref<10240x128xf32, #tpu.memory_space<vmem_shared>> -> memref<240x128xf32, #tpu.memory_space<vmem_shared>>
        %dma_start3A_29 = arith.constant 10000 : i32
        %dma_start3A_30 = arith.constant 0 : i32
        %dma_start3A_31 = tpu.memref_slice %arg5[%dma_start3A_29, %dma_start3A_30] : memref<10240x128xf32, #tpu.memory_space<hbm>> -> memref<240x128xf32, #tpu.memory_space<hbm>>
        tpu.enqueue_dma source(%dma_start3A_31 : memref<240x128xf32, #tpu.memory_space<hbm>>) target(%dma_start3A_28 : memref<240x128xf32, #tpu.memory_space<vmem_shared>>) target_semaphore(%run_scoped3A : memref<!tpu.dma_semaphore, #tpu.memory_space<semaphore_mem>>)
        %dma_wait3A = arith.constant 10000 : i32
        %dma_wait3A_32 = arith.constant 0 : i32
        %dma_wait3A_33 = tpu.memref_slice %arg7[%dma_wait3A, %dma_wait3A_32] : memref<10240x128xf32, #tpu.memory_space<vmem_shared>> -> memref<240x128xf32, #tpu.memory_space<vmem_shared>>
        %dma_wait3A_34 = arith.constant 10000 : i32
        %dma_wait3A_35 = arith.constant 0 : i32
        %dma_wait3A_36 = tpu.memref_slice %arg5[%dma_wait3A_34, %dma_wait3A_35] : memref<10240x128xf32, #tpu.memory_space<hbm>> -> memref<240x128xf32, #tpu.memory_space<hbm>>
        tpu.wait_dma2 semaphore(%run_scoped3A : memref<!tpu.dma_semaphore, #tpu.memory_space<semaphore_mem>>) src(%dma_wait3A_36 : memref<240x128xf32, #tpu.memory_space<hbm>>) dst(%dma_wait3A_33 : memref<240x128xf32, #tpu.memory_space<vmem_shared>>)
        tpu.yield
      }) : () -> ()
      %dma_start3A = arith.constant 0 : i32
      %dma_start3A_23 = tpu.memref_slice %arg7[%mul3A_2, %dma_start3A] : memref<10240x128xf32, #tpu.memory_space<vmem_shared>> -> memref<400x128xf32, #tpu.memory_space<vmem_shared>>
      %dma_start3A_24 = arith.constant 0 : i32
      %dma_start3A_25 = tpu.memref_slice %arg2[%mul3A_2, %dma_start3A_24] : memref<10000x128xf32, #tpu.memory_space<hbm>> -> memref<400x128xf32, #tpu.memory_space<hbm>>
      tpu.enqueue_dma source(%dma_start3A_25 : memref<400x128xf32, #tpu.memory_space<hbm>>) target(%dma_start3A_23 : memref<400x128xf32, #tpu.memory_space<vmem_shared>>) target_semaphore(%arg13 : memref<!tpu.dma_semaphore, #tpu.memory_space<semaphore_mem>>)
    } else {
    }
    %eq3A_14 = arith.constant 1 : i32
    %eq3A_15 = arith.cmpi eq, %arg0, %eq3A_14 : i32
    %convert_element_type3A_16 = arith.extui %eq3A_15 : i1 to i32
    %cond3A_17 = arith.constant 0 : i32
    %cond3A_18 = arith.cmpi ne, %convert_element_type3A_16, %cond3A_17 : i32
    scf.if %cond3A_18 {
      %dma_start3A = arith.constant 0 : i32
      %dma_start3A_23 = tpu.memref_slice %arg7[%mul3A_2, %dma_start3A] : memref<10240x128xf32, #tpu.memory_space<vmem_shared>> -> memref<640x128xf32, #tpu.memory_space<vmem_shared>>
      %dma_start3A_24 = arith.constant 0 : i32
      %dma_start3A_25 = tpu.memref_slice %arg5[%mul3A_2, %dma_start3A_24] : memref<10240x128xf32, #tpu.memory_space<hbm>> -> memref<640x128xf32, #tpu.memory_space<hbm>>
      tpu.enqueue_dma source(%dma_start3A_25 : memref<640x128xf32, #tpu.memory_space<hbm>>) target(%dma_start3A_23 : memref<640x128xf32, #tpu.memory_space<vmem_shared>>) target_semaphore(%arg13 : memref<!tpu.dma_semaphore, #tpu.memory_space<semaphore_mem>>)
    } else {
    }
    %scan3A = arith.constant 0 : i32
    %scan3A_19 = arith.constant 2 : i32
    %scan3A_20 = arith.addi %scan3A, %scan3A_19 : i32
    %scan3A_21 = arith.constant 1 : i32
    scf.for %scan3A_23 = %scan3A to %scan3A_20 step %scan3A_21  : i32 {
      %mul3A_24 = arith.constant 1 : i32
      %mul3A_25 = arith.muli %scan3A_23, %mul3A_24 : i32
      %add3A_26 = arith.constant 0 : i32
      %add3A_27 = arith.addi %add3A_26, %mul3A_25 : i32
      %mul3A_28 = arith.constant 80 : i32
      %mul3A_29 = arith.muli %add3A, %mul3A_28 : i32
      %mul3A_30 = arith.constant 40 : i32
      %mul3A_31 = arith.muli %add3A_27, %mul3A_30 : i32
      %add3A_32 = arith.addi %mul3A_29, %mul3A_31 : i32
      "tpu.region"() ({
        %run_scoped3A = tpu.sem_alloc : memref<!tpu.dma_semaphore, #tpu.memory_space<semaphore_mem>>
        %dma_start3A_49 = arith.constant 0 : i32
        %dma_start3A_50 = tpu.memref_slice %arg3[%add3A_32, %dma_start3A_49] : memref<2560x128xi32, #tpu.memory_space<hbm>> -> memref<40x128xi32, #tpu.memory_space<hbm>>
        %dma_start3A_51 = arith.constant 0 : i32
        %dma_start3A_52 = tpu.memref_slice %arg3[%add3A_32, %dma_start3A_51] : memref<2560x128xi32, #tpu.memory_space<hbm>> -> memref<40x128xi32, #tpu.memory_space<hbm>>
        tpu.enqueue_dma source(%dma_start3A_52 : memref<40x128xi32, #tpu.memory_space<hbm>>) target(%arg8 : memref<40x128xi32, #tpu.memory_space<vmem>>) target_semaphore(%run_scoped3A : memref<!tpu.dma_semaphore, #tpu.memory_space<semaphore_mem>>)
        %dma_wait3A = arith.constant 0 : i32
        %dma_wait3A_53 = tpu.memref_slice %arg3[%add3A_32, %dma_wait3A] : memref<2560x128xi32, #tpu.memory_space<hbm>> -> memref<40x128xi32, #tpu.memory_space<hbm>>
        %dma_wait3A_54 = arith.constant 0 : i32
        %dma_wait3A_55 = tpu.memref_slice %arg3[%add3A_32, %dma_wait3A_54] : memref<2560x128xi32, #tpu.memory_space<hbm>> -> memref<40x128xi32, #tpu.memory_space<hbm>>
        tpu.wait_dma2 semaphore(%run_scoped3A : memref<!tpu.dma_semaphore, #tpu.memory_space<semaphore_mem>>) src(%dma_wait3A_55 : memref<40x128xi32, #tpu.memory_space<hbm>>) dst(%arg8 : memref<40x128xi32, #tpu.memory_space<vmem>>)
        tpu.yield
      }) : () -> ()
      "tpu.region"() ({
        %run_scoped3A = tpu.sem_alloc : memref<!tpu.dma_semaphore, #tpu.memory_space<semaphore_mem>>
        %dma_start3A_49 = arith.constant 0 : i32
        %dma_start3A_50 = tpu.memref_slice %arg4[%add3A_32, %dma_start3A_49] : memref<2560x128xi32, #tpu.memory_space<hbm>> -> memref<40x128xi32, #tpu.memory_space<hbm>>
        %dma_start3A_51 = arith.constant 0 : i32
        %dma_start3A_52 = tpu.memref_slice %arg4[%add3A_32, %dma_start3A_51] : memref<2560x128xi32, #tpu.memory_space<hbm>> -> memref<40x128xi32, #tpu.memory_space<hbm>>
        tpu.enqueue_dma source(%dma_start3A_52 : memref<40x128xi32, #tpu.memory_space<hbm>>) target(%arg9 : memref<40x128xi32, #tpu.memory_space<vmem>>) target_semaphore(%run_scoped3A : memref<!tpu.dma_semaphore, #tpu.memory_space<semaphore_mem>>)
        %dma_wait3A = arith.constant 0 : i32
        %dma_wait3A_53 = tpu.memref_slice %arg4[%add3A_32, %dma_wait3A] : memref<2560x128xi32, #tpu.memory_space<hbm>> -> memref<40x128xi32, #tpu.memory_space<hbm>>
        %dma_wait3A_54 = arith.constant 0 : i32
        %dma_wait3A_55 = tpu.memref_slice %arg4[%add3A_32, %dma_wait3A_54] : memref<2560x128xi32, #tpu.memory_space<hbm>> -> memref<40x128xi32, #tpu.memory_space<hbm>>
        tpu.wait_dma2 semaphore(%run_scoped3A : memref<!tpu.dma_semaphore, #tpu.memory_space<semaphore_mem>>) src(%dma_wait3A_55 : memref<40x128xi32, #tpu.memory_space<hbm>>) dst(%arg9 : memref<40x128xi32, #tpu.memory_space<vmem>>)
        tpu.yield
      }) : () -> ()
      %dma_start3A = arith.constant 0 : i32
      %dma_start3A_33 = arith.constant 0 : i32
      %dma_start3A_34 = tpu.memref_slice %arg8[%dma_start3A, %dma_start3A_33] : memref<40x128xi32, #tpu.memory_space<vmem>> -> memref<1x128xi32, #tpu.memory_space<vmem>>
      %dma_start3A_35 = tpu.memref_squeeze %dma_start3A_34 : memref<1x128xi32, #tpu.memory_space<vmem>> -> memref<128xi32, #tpu.memory_space<vmem>>
      %dma_start3A_36 = arith.constant 0 : i32
      %dma_start3A_37 = arith.constant 0 : i32
      %dma_start3A_38 = tpu.memref_slice %arg2[%dma_start3A_36, %dma_start3A_37] : memref<10000x128xf32, #tpu.memory_space<hbm>> -> memref<10000x128xf32, #tpu.memory_space<hbm>>
      tpu.enqueue_indirect_dma source(%dma_start3A_38 : memref<10000x128xf32, #tpu.memory_space<hbm>>) target(%arg10 : memref<128x128xf32, #tpu.memory_space<vmem>>) offsets(%dma_start3A_35 : memref<128xi32, #tpu.memory_space<vmem>>) semaphore(%arg12 : memref<!tpu.dma_semaphore, #tpu.memory_space<semaphore_mem>>)
      %eq3A_39 = arith.constant 0 : i32
      %eq3A_40 = arith.cmpi eq, %add3A_27, %eq3A_39 : i32
      %convert_element_type3A_41 = arith.extui %eq3A_40 : i1 to i32
      %cond3A_42 = arith.constant 0 : i32
      %cond3A_43 = arith.cmpi ne, %convert_element_type3A_41, %cond3A_42 : i32
      scf.if %cond3A_43 {
        %eq3A_49 = arith.constant 1 : i32
        %eq3A_50 = arith.cmpi eq, %arg0, %eq3A_49 : i32
        %lt3A_51 = arith.constant 15 : i32
        %lt3A_52 = arith.cmpi slt, %arg1, %lt3A_51 : i32
        %or3A = arith.ori %eq3A_50, %lt3A_52 : i1
        %convert_element_type3A_53 = arith.extui %or3A : i1 to i32
        %cond3A_54 = arith.constant 0 : i32
        %cond3A_55 = arith.cmpi ne, %convert_element_type3A_53, %cond3A_54 : i32
        scf.if %cond3A_55 {
          %dma_wait3A = arith.constant 0 : i32
          %dma_wait3A_65 = tpu.memref_slice %arg7[%mul3A_2, %dma_wait3A] : memref<10240x128xf32, #tpu.memory_space<vmem_shared>> -> memref<640x128xf32, #tpu.memory_space<vmem_shared>>
          %dma_wait3A_66 = arith.constant 0 : i32
          %dma_wait3A_67 = arith.constant 0 : i32
          %dma_wait3A_68 = tpu.memref_slice %arg5[%dma_wait3A_66, %dma_wait3A_67] : memref<10240x128xf32, #tpu.memory_space<hbm>> -> memref<640x128xf32, #tpu.memory_space<hbm>>
          tpu.wait_dma2 semaphore(%arg13 : memref<!tpu.dma_semaphore, #tpu.memory_space<semaphore_mem>>) src(%dma_wait3A_68 : memref<640x128xf32, #tpu.memory_space<hbm>>) dst(%dma_wait3A_65 : memref<640x128xf32, #tpu.memory_space<vmem_shared>>)
        } else {
        }
        %eq3A_56 = arith.constant 0 : i32
        %eq3A_57 = arith.cmpi eq, %arg0, %eq3A_56 : i32
        %eq3A_58 = arith.constant 15 : i32
        %eq3A_59 = arith.cmpi eq, %arg1, %eq3A_58 : i32
        %and3A_60 = arith.andi %eq3A_57, %eq3A_59 : i1
        %convert_element_type3A_61 = arith.extui %and3A_60 : i1 to i32
        %cond3A_62 = arith.constant 0 : i32
        %cond3A_63 = arith.cmpi ne, %convert_element_type3A_61, %cond3A_62 : i32
        scf.if %cond3A_63 {
          %dma_wait3A = arith.constant 0 : i32
          %dma_wait3A_65 = tpu.memref_slice %arg7[%mul3A_2, %dma_wait3A] : memref<10240x128xf32, #tpu.memory_space<vmem_shared>> -> memref<400x128xf32, #tpu.memory_space<vmem_shared>>
          %dma_wait3A_66 = arith.constant 0 : i32
          %dma_wait3A_67 = arith.constant 0 : i32
          %dma_wait3A_68 = tpu.memref_slice %arg5[%dma_wait3A_66, %dma_wait3A_67] : memref<10240x128xf32, #tpu.memory_space<hbm>> -> memref<400x128xf32, #tpu.memory_space<hbm>>
          tpu.wait_dma2 semaphore(%arg13 : memref<!tpu.dma_semaphore, #tpu.memory_space<semaphore_mem>>) src(%dma_wait3A_68 : memref<400x128xf32, #tpu.memory_space<hbm>>) dst(%dma_wait3A_65 : memref<400x128xf32, #tpu.memory_space<vmem_shared>>)
        } else {
        }
        %barrier3A_64 = arith.constant 0 : index
        tpu.barrier barrier_id(%barrier3A_64)
      } else {
      }
      %scan3A_44 = arith.constant 0 : i32
      %scan3A_45 = arith.constant 20 : i32
      %scan3A_46 = arith.addi %scan3A_44, %scan3A_45 : i32
      %scan3A_47 = arith.constant 1 : i32
      scf.for %scan3A_49 = %scan3A_44 to %scan3A_46 step %scan3A_47  : i32 {
        %mul3A_50 = arith.constant 2 : i32
        %mul3A_51 = arith.muli %scan3A_49, %mul3A_50 : i32
        %add3A_52 = arith.constant 0 : i32
        %add3A_53 = arith.addi %add3A_52, %mul3A_51 : i32
        %add3A_54 = arith.constant 1 : i32
        %add3A_55 = arith.addi %add3A_53, %add3A_54 : i32
        %dma_start3A_56 = arith.constant 0 : i32
        %dma_start3A_57 = tpu.memref_slice %arg8[%add3A_55, %dma_start3A_56] : memref<40x128xi32, #tpu.memory_space<vmem>> -> memref<1x128xi32, #tpu.memory_space<vmem>>
        %dma_start3A_58 = tpu.memref_squeeze %dma_start3A_57 : memref<1x128xi32, #tpu.memory_space<vmem>> -> memref<128xi32, #tpu.memory_space<vmem>>
        %dma_start3A_59 = arith.constant 0 : i32
        %dma_start3A_60 = arith.constant 0 : i32
        %dma_start3A_61 = tpu.memref_slice %arg2[%dma_start3A_59, %dma_start3A_60] : memref<10000x128xf32, #tpu.memory_space<hbm>> -> memref<10000x128xf32, #tpu.memory_space<hbm>>
        tpu.enqueue_indirect_dma source(%dma_start3A_61 : memref<10000x128xf32, #tpu.memory_space<hbm>>) target(%arg11 : memref<128x128xf32, #tpu.memory_space<vmem>>) offsets(%dma_start3A_58 : memref<128xi32, #tpu.memory_space<vmem>>) semaphore(%arg13 : memref<!tpu.dma_semaphore, #tpu.memory_space<semaphore_mem>>)
        %dma_wait3A = arith.constant 0 : i32
        %dma_wait3A_62 = tpu.memref_slice %arg8[%add3A_53, %dma_wait3A] : memref<40x128xi32, #tpu.memory_space<vmem>> -> memref<1x128xi32, #tpu.memory_space<vmem>>
        %dma_wait3A_63 = tpu.memref_squeeze %dma_wait3A_62 : memref<1x128xi32, #tpu.memory_space<vmem>> -> memref<128xi32, #tpu.memory_space<vmem>>
        %dma_wait3A_64 = arith.constant 0 : i32
        %dma_wait3A_65 = arith.constant 0 : i32
        %dma_wait3A_66 = tpu.memref_slice %arg2[%dma_wait3A_64, %dma_wait3A_65] : memref<10000x128xf32, #tpu.memory_space<hbm>> -> memref<10000x128xf32, #tpu.memory_space<hbm>>
        tpu.wait_indirect_dma semaphore(%arg12 : memref<!tpu.dma_semaphore, #tpu.memory_space<semaphore_mem>>) src(%dma_wait3A_66 : memref<10000x128xf32, #tpu.memory_space<hbm>>) dst(%arg10 : memref<128x128xf32, #tpu.memory_space<vmem>>)
        "tpu.region"() ({
          %run_scoped3A = tpu.sem_alloc : memref<!tpu.dma_semaphore, #tpu.memory_space<semaphore_mem>>
          %dma_start3A_84 = arith.constant 0 : i32
          %dma_start3A_85 = tpu.memref_slice %arg9[%add3A_53, %dma_start3A_84] : memref<40x128xi32, #tpu.memory_space<vmem>> -> memref<1x128xi32, #tpu.memory_space<vmem>>
          %dma_start3A_86 = tpu.memref_squeeze %dma_start3A_85 : memref<1x128xi32, #tpu.memory_space<vmem>> -> memref<128xi32, #tpu.memory_space<vmem>>
          %dma_start3A_87 = arith.constant 0 : i32
          %dma_start3A_88 = arith.constant 0 : i32
          %dma_start3A_89 = tpu.memref_slice %arg7[%dma_start3A_87, %dma_start3A_88] : memref<10240x128xf32, #tpu.memory_space<vmem_shared>> -> memref<10240x128xf32, #tpu.memory_space<vmem_shared>>
          tpu.enqueue_indirect_dma source(%arg10 : memref<128x128xf32, #tpu.memory_space<vmem>>) target(%dma_start3A_89 : memref<10240x128xf32, #tpu.memory_space<vmem_shared>>) offsets(%dma_start3A_86 : memref<128xi32, #tpu.memory_space<vmem>>) semaphore(%run_scoped3A : memref<!tpu.dma_semaphore, #tpu.memory_space<semaphore_mem>>) {add = true}
          %dma_wait3A_90 = arith.constant 0 : i32
          %dma_wait3A_91 = tpu.memref_slice %arg9[%add3A_53, %dma_wait3A_90] : memref<40x128xi32, #tpu.memory_space<vmem>> -> memref<1x128xi32, #tpu.memory_space<vmem>>
          %dma_wait3A_92 = tpu.memref_squeeze %dma_wait3A_91 : memref<1x128xi32, #tpu.memory_space<vmem>> -> memref<128xi32, #tpu.memory_space<vmem>>
          %dma_wait3A_93 = arith.constant 0 : i32
          %dma_wait3A_94 = arith.constant 0 : i32
          %dma_wait3A_95 = tpu.memref_slice %arg7[%dma_wait3A_93, %dma_wait3A_94] : memref<10240x128xf32, #tpu.memory_space<vmem_shared>> -> memref<10240x128xf32, #tpu.memory_space<vmem_shared>>
          tpu.wait_indirect_dma semaphore(%run_scoped3A : memref<!tpu.dma_semaphore, #tpu.memory_space<semaphore_mem>>) src(%arg10 : memref<128x128xf32, #tpu.memory_space<vmem>>) dst(%dma_wait3A_95 : memref<10240x128xf32, #tpu.memory_space<vmem_shared>>)
          tpu.yield
        }) : () -> ()
        %add3A_67 = arith.constant 2 : i32
        %add3A_68 = arith.addi %add3A_53, %add3A_67 : i32
        %lt3A_69 = arith.constant 40 : i32
        %lt3A_70 = arith.cmpi slt, %add3A_68, %lt3A_69 : i32
        %convert_element_type3A_71 = arith.extui %lt3A_70 : i1 to i32
        %cond3A_72 = arith.constant 0 : i32
        %cond3A_73 = arith.cmpi ne, %convert_element_type3A_71, %cond3A_72 : i32
        scf.if %cond3A_73 {
          %add3A_84 = arith.constant 2 : i32
          %add3A_85 = arith.addi %add3A_53, %add3A_84 : i32
          %dma_start3A_86 = arith.constant 0 : i32
          %dma_start3A_87 = tpu.memref_slice %arg8[%add3A_85, %dma_start3A_86] : memref<40x128xi32, #tpu.memory_space<vmem>> -> memref<1x128xi32, #tpu.memory_space<vmem>>
          %dma_start3A_88 = tpu.memref_squeeze %dma_start3A_87 : memref<1x128xi32, #tpu.memory_space<vmem>> -> memref<128xi32, #tpu.memory_space<vmem>>
          %dma_start3A_89 = arith.constant 0 : i32
          %dma_start3A_90 = arith.constant 0 : i32
          %dma_start3A_91 = tpu.memref_slice %arg2[%dma_start3A_89, %dma_start3A_90] : memref<10000x128xf32, #tpu.memory_space<hbm>> -> memref<10000x128xf32, #tpu.memory_space<hbm>>
          tpu.enqueue_indirect_dma source(%dma_start3A_91 : memref<10000x128xf32, #tpu.memory_space<hbm>>) target(%arg10 : memref<128x128xf32, #tpu.memory_space<vmem>>) offsets(%dma_start3A_88 : memref<128xi32, #tpu.memory_space<vmem>>) semaphore(%arg12 : memref<!tpu.dma_semaphore, #tpu.memory_space<semaphore_mem>>)
        } else {
        }
        %add3A_74 = arith.constant 1 : i32
        %add3A_75 = arith.addi %add3A_53, %add3A_74 : i32
        %dma_wait3A_76 = arith.constant 0 : i32
        %dma_wait3A_77 = tpu.memref_slice %arg8[%add3A_75, %dma_wait3A_76] : memref<40x128xi32, #tpu.memory_space<vmem>> -> memref<1x128xi32, #tpu.memory_space<vmem>>
        %dma_wait3A_78 = tpu.memref_squeeze %dma_wait3A_77 : memref<1x128xi32, #tpu.memory_space<vmem>> -> memref<128xi32, #tpu.memory_space<vmem>>
        %dma_wait3A_79 = arith.constant 0 : i32
        %dma_wait3A_80 = arith.constant 0 : i32
        %dma_wait3A_81 = tpu.memref_slice %arg2[%dma_wait3A_79, %dma_wait3A_80] : memref<10000x128xf32, #tpu.memory_space<hbm>> -> memref<10000x128xf32, #tpu.memory_space<hbm>>
        tpu.wait_indirect_dma semaphore(%arg13 : memref<!tpu.dma_semaphore, #tpu.memory_space<semaphore_mem>>) src(%dma_wait3A_81 : memref<10000x128xf32, #tpu.memory_space<hbm>>) dst(%arg11 : memref<128x128xf32, #tpu.memory_space<vmem>>)
        %add3A_82 = arith.constant 1 : i32
        %add3A_83 = arith.addi %add3A_53, %add3A_82 : i32
        "tpu.region"() ({
          %run_scoped3A = tpu.sem_alloc : memref<!tpu.dma_semaphore, #tpu.memory_space<semaphore_mem>>
          %dma_start3A_84 = arith.constant 0 : i32
          %dma_start3A_85 = tpu.memref_slice %arg9[%add3A_83, %dma_start3A_84] : memref<40x128xi32, #tpu.memory_space<vmem>> -> memref<1x128xi32, #tpu.memory_space<vmem>>
          %dma_start3A_86 = tpu.memref_squeeze %dma_start3A_85 : memref<1x128xi32, #tpu.memory_space<vmem>> -> memref<128xi32, #tpu.memory_space<vmem>>
          %dma_start3A_87 = arith.constant 0 : i32
          %dma_start3A_88 = arith.constant 0 : i32
          %dma_start3A_89 = tpu.memref_slice %arg7[%dma_start3A_87, %dma_start3A_88] : memref<10240x128xf32, #tpu.memory_space<vmem_shared>> -> memref<10240x128xf32, #tpu.memory_space<vmem_shared>>
          tpu.enqueue_indirect_dma source(%arg11 : memref<128x128xf32, #tpu.memory_space<vmem>>) target(%dma_start3A_89 : memref<10240x128xf32, #tpu.memory_space<vmem_shared>>) offsets(%dma_start3A_86 : memref<128xi32, #tpu.memory_space<vmem>>) semaphore(%run_scoped3A : memref<!tpu.dma_semaphore, #tpu.memory_space<semaphore_mem>>) {add = true}
          %dma_wait3A_90 = arith.constant 0 : i32
          %dma_wait3A_91 = tpu.memref_slice %arg9[%add3A_83, %dma_wait3A_90] : memref<40x128xi32, #tpu.memory_space<vmem>> -> memref<1x128xi32, #tpu.memory_space<vmem>>
          %dma_wait3A_92 = tpu.memref_squeeze %dma_wait3A_91 : memref<1x128xi32, #tpu.memory_space<vmem>> -> memref<128xi32, #tpu.memory_space<vmem>>
          %dma_wait3A_93 = arith.constant 0 : i32
          %dma_wait3A_94 = arith.constant 0 : i32
          %dma_wait3A_95 = tpu.memref_slice %arg7[%dma_wait3A_93, %dma_wait3A_94] : memref<10240x128xf32, #tpu.memory_space<vmem_shared>> -> memref<10240x128xf32, #tpu.memory_space<vmem_shared>>
          tpu.wait_indirect_dma semaphore(%run_scoped3A : memref<!tpu.dma_semaphore, #tpu.memory_space<semaphore_mem>>) src(%arg11 : memref<128x128xf32, #tpu.memory_space<vmem>>) dst(%dma_wait3A_95 : memref<10240x128xf32, #tpu.memory_space<vmem_shared>>)
          tpu.yield
        }) : () -> ()
      }
      %scan3A_48 = arith.constant 20 : i32
    }
    %scan3A_22 = arith.constant 2 : i32
    %barrier3A = arith.constant 0 : index
    tpu.barrier barrier_id(%barrier3A)
    "tpu.region"() ({
      %run_scoped3A = tpu.sem_alloc : memref<!tpu.dma_semaphore, #tpu.memory_space<semaphore_mem>>
      %dma_start3A = arith.constant 0 : i32
      %dma_start3A_23 = tpu.memref_slice %arg6[%arg0, %mul3A_2, %dma_start3A] : memref<2x10240x128xf32, #tpu.memory_space<hbm>> -> memref<1x640x128xf32, #tpu.memory_space<hbm>>
      %dma_start3A_24 = tpu.memref_squeeze %dma_start3A_23 : memref<1x640x128xf32, #tpu.memory_space<hbm>> -> memref<640x128xf32, #tpu.memory_space<hbm>>
      %dma_start3A_25 = arith.constant 0 : i32
      %dma_start3A_26 = tpu.memref_slice %arg7[%mul3A_2, %dma_start3A_25] : memref<10240x128xf32, #tpu.memory_space<vmem_shared>> -> memref<640x128xf32, #tpu.memory_space<vmem_shared>>
      tpu.enqueue_dma source(%dma_start3A_26 : memref<640x128xf32, #tpu.memory_space<vmem_shared>>) target(%dma_start3A_24 : memref<640x128xf32, #tpu.memory_space<hbm>>) target_semaphore(%run_scoped3A : memref<!tpu.dma_semaphore, #tpu.memory_space<semaphore_mem>>)
      %dma_wait3A = arith.constant 0 : i32
      %dma_wait3A_27 = tpu.memref_slice %arg6[%arg0, %mul3A_2, %dma_wait3A] : memref<2x10240x128xf32, #tpu.memory_space<hbm>> -> memref<1x640x128xf32, #tpu.memory_space<hbm>>
      %dma_wait3A_28 = tpu.memref_squeeze %dma_wait3A_27 : memref<1x640x128xf32, #tpu.memory_space<hbm>> -> memref<640x128xf32, #tpu.memory_space<hbm>>
      %dma_wait3A_29 = arith.constant 0 : i32
      %dma_wait3A_30 = tpu.memref_slice %arg7[%mul3A_2, %dma_wait3A_29] : memref<10240x128xf32, #tpu.memory_space<vmem_shared>> -> memref<640x128xf32, #tpu.memory_space<vmem_shared>>
      tpu.wait_dma2 semaphore(%run_scoped3A : memref<!tpu.dma_semaphore, #tpu.memory_space<semaphore_mem>>) src(%dma_wait3A_30 : memref<640x128xf32, #tpu.memory_space<vmem_shared>>) dst(%dma_wait3A_28 : memref<640x128xf32, #tpu.memory_space<hbm>>)
      tpu.yield
    }) : () -> ()
    return
  }
}

#map = affine_map<(d0, d1) -> (0, 0)>
#map1 = affine_map<(d0, d1) -> (0, 0, 0)>
module attributes {stable_mosaic.version = 14 : i64} {
  func.func @_sc_agg(%arg0: i32, %arg1: i32, %arg2: memref<10000x128xf32, #tpu.memory_space<hbm>>, %arg3: memref<2560x128xi32, #tpu.memory_space<hbm>>, %arg4: memref<2560x128xi32, #tpu.memory_space<hbm>>, %arg5: memref<10240x128xf32, #tpu.memory_space<hbm>>, %arg6: memref<2x10240x128xf32, #tpu.memory_space<hbm>>, %arg7: memref<10240x128xf32, #tpu.memory_space<vmem_shared>>, %arg8: memref<40x128xi32, #tpu.memory_space<vmem>>, %arg9: memref<40x128xi32, #tpu.memory_space<vmem>>, %arg10: memref<128x128xf32, #tpu.memory_space<vmem>>, %arg11: memref<128x128xf32, #tpu.memory_space<vmem>>, %arg12: memref<!tpu.dma_semaphore, #tpu.memory_space<semaphore_mem>>, %arg13: memref<!tpu.dma_semaphore, #tpu.memory_space<semaphore_mem>>) attributes {dimension_semantics = [#tpu.dimension_semantics<core_parallel>, #tpu.dimension_semantics<subcore_parallel>], iteration_bounds = array<i64: 2, 16>, scalar_prefetch = 0 : i64, scratch_operands = 7 : i64, tpu.core_type = #tpu.core_type<sc_vector_subcore>, window_params = [{transform_indices = #map}, {transform_indices = #map}, {transform_indices = #map}, {transform_indices = #map}, {transform_indices = #map1}]} {
    %mul3A = arith.constant 16 : i32
    %mul3A_0 = arith.muli %arg0, %mul3A : i32
    %add3A = arith.addi %mul3A_0, %arg1 : i32
    %mul3A_1 = arith.constant 640 : i32
    %mul3A_2 = arith.muli %arg1, %mul3A_1 : i32
    %eq3A = arith.constant 0 : i32
    %eq3A_3 = arith.cmpi eq, %arg0, %eq3A : i32
    %lt3A = arith.constant 15 : i32
    %lt3A_4 = arith.cmpi slt, %arg1, %lt3A : i32
    %and3A = arith.andi %eq3A_3, %lt3A_4 : i1
    %convert_element_type3A = arith.extui %and3A : i1 to i32
    %cond3A = arith.constant 0 : i32
    %cond3A_5 = arith.cmpi ne, %convert_element_type3A, %cond3A : i32
    scf.if %cond3A_5 {
      %dma_start3A = arith.constant 0 : i32
      %dma_start3A_23 = tpu.memref_slice %arg7[%mul3A_2, %dma_start3A] : memref<10240x128xf32, #tpu.memory_space<vmem_shared>> -> memref<640x128xf32, #tpu.memory_space<vmem_shared>>
      %dma_start3A_24 = arith.constant 0 : i32
      %dma_start3A_25 = tpu.memref_slice %arg2[%mul3A_2, %dma_start3A_24] : memref<10000x128xf32, #tpu.memory_space<hbm>> -> memref<640x128xf32, #tpu.memory_space<hbm>>
      tpu.enqueue_dma source(%dma_start3A_25 : memref<640x128xf32, #tpu.memory_space<hbm>>) target(%dma_start3A_23 : memref<640x128xf32, #tpu.memory_space<vmem_shared>>) target_semaphore(%arg13 : memref<!tpu.dma_semaphore, #tpu.memory_space<semaphore_mem>>)
    } else {
    }
    %eq3A_6 = arith.constant 0 : i32
    %eq3A_7 = arith.cmpi eq, %arg0, %eq3A_6 : i32
    %eq3A_8 = arith.constant 15 : i32
    %eq3A_9 = arith.cmpi eq, %arg1, %eq3A_8 : i32
    %and3A_10 = arith.andi %eq3A_7, %eq3A_9 : i1
    %convert_element_type3A_11 = arith.extui %and3A_10 : i1 to i32
    %cond3A_12 = arith.constant 0 : i32
    %cond3A_13 = arith.cmpi ne, %convert_element_type3A_11, %cond3A_12 : i32
    scf.if %cond3A_13 {
      "tpu.region"() ({
        %run_scoped3A = tpu.sem_alloc : memref<!tpu.dma_semaphore, #tpu.memory_space<semaphore_mem>>
        %dma_start3A_26 = arith.constant 10000 : i32
        %dma_start3A_27 = arith.constant 0 : i32
        %dma_start3A_28 = tpu.memref_slice %arg7[%dma_start3A_26, %dma_start3A_27] : memref<10240x128xf32, #tpu.memory_space<vmem_shared>> -> memref<240x128xf32, #tpu.memory_space<vmem_shared>>
        %dma_start3A_29 = arith.constant 10000 : i32
        %dma_start3A_30 = arith.constant 0 : i32
        %dma_start3A_31 = tpu.memref_slice %arg5[%dma_start3A_29, %dma_start3A_30] : memref<10240x128xf32, #tpu.memory_space<hbm>> -> memref<240x128xf32, #tpu.memory_space<hbm>>
        tpu.enqueue_dma source(%dma_start3A_31 : memref<240x128xf32, #tpu.memory_space<hbm>>) target(%dma_start3A_28 : memref<240x128xf32, #tpu.memory_space<vmem_shared>>) target_semaphore(%run_scoped3A : memref<!tpu.dma_semaphore, #tpu.memory_space<semaphore_mem>>)
        %dma_wait3A = arith.constant 10000 : i32
        %dma_wait3A_32 = arith.constant 0 : i32
        %dma_wait3A_33 = tpu.memref_slice %arg7[%dma_wait3A, %dma_wait3A_32] : memref<10240x128xf32, #tpu.memory_space<vmem_shared>> -> memref<240x128xf32, #tpu.memory_space<vmem_shared>>
        %dma_wait3A_34 = arith.constant 10000 : i32
        %dma_wait3A_35 = arith.constant 0 : i32
        %dma_wait3A_36 = tpu.memref_slice %arg5[%dma_wait3A_34, %dma_wait3A_35] : memref<10240x128xf32, #tpu.memory_space<hbm>> -> memref<240x128xf32, #tpu.memory_space<hbm>>
        tpu.wait_dma2 semaphore(%run_scoped3A : memref<!tpu.dma_semaphore, #tpu.memory_space<semaphore_mem>>) src(%dma_wait3A_36 : memref<240x128xf32, #tpu.memory_space<hbm>>) dst(%dma_wait3A_33 : memref<240x128xf32, #tpu.memory_space<vmem_shared>>)
        tpu.yield
      }) : () -> ()
      %dma_start3A = arith.constant 0 : i32
      %dma_start3A_23 = tpu.memref_slice %arg7[%mul3A_2, %dma_start3A] : memref<10240x128xf32, #tpu.memory_space<vmem_shared>> -> memref<400x128xf32, #tpu.memory_space<vmem_shared>>
      %dma_start3A_24 = arith.constant 0 : i32
      %dma_start3A_25 = tpu.memref_slice %arg2[%mul3A_2, %dma_start3A_24] : memref<10000x128xf32, #tpu.memory_space<hbm>> -> memref<400x128xf32, #tpu.memory_space<hbm>>
      tpu.enqueue_dma source(%dma_start3A_25 : memref<400x128xf32, #tpu.memory_space<hbm>>) target(%dma_start3A_23 : memref<400x128xf32, #tpu.memory_space<vmem_shared>>) target_semaphore(%arg13 : memref<!tpu.dma_semaphore, #tpu.memory_space<semaphore_mem>>)
    } else {
    }
    %eq3A_14 = arith.constant 1 : i32
    %eq3A_15 = arith.cmpi eq, %arg0, %eq3A_14 : i32
    %convert_element_type3A_16 = arith.extui %eq3A_15 : i1 to i32
    %cond3A_17 = arith.constant 0 : i32
    %cond3A_18 = arith.cmpi ne, %convert_element_type3A_16, %cond3A_17 : i32
    scf.if %cond3A_18 {
      %dma_start3A = arith.constant 0 : i32
      %dma_start3A_23 = tpu.memref_slice %arg7[%mul3A_2, %dma_start3A] : memref<10240x128xf32, #tpu.memory_space<vmem_shared>> -> memref<640x128xf32, #tpu.memory_space<vmem_shared>>
      %dma_start3A_24 = arith.constant 0 : i32
      %dma_start3A_25 = tpu.memref_slice %arg5[%mul3A_2, %dma_start3A_24] : memref<10240x128xf32, #tpu.memory_space<hbm>> -> memref<640x128xf32, #tpu.memory_space<hbm>>
      tpu.enqueue_dma source(%dma_start3A_25 : memref<640x128xf32, #tpu.memory_space<hbm>>) target(%dma_start3A_23 : memref<640x128xf32, #tpu.memory_space<vmem_shared>>) target_semaphore(%arg13 : memref<!tpu.dma_semaphore, #tpu.memory_space<semaphore_mem>>)
    } else {
    }
    %scan3A = arith.constant 0 : i32
    %scan3A_19 = arith.constant 2 : i32
    %scan3A_20 = arith.addi %scan3A, %scan3A_19 : i32
    %scan3A_21 = arith.constant 1 : i32
    scf.for %scan3A_23 = %scan3A to %scan3A_20 step %scan3A_21  : i32 {
      %mul3A_24 = arith.constant 1 : i32
      %mul3A_25 = arith.muli %scan3A_23, %mul3A_24 : i32
      %add3A_26 = arith.constant 0 : i32
      %add3A_27 = arith.addi %add3A_26, %mul3A_25 : i32
      %mul3A_28 = arith.constant 80 : i32
      %mul3A_29 = arith.muli %add3A, %mul3A_28 : i32
      %mul3A_30 = arith.constant 40 : i32
      %mul3A_31 = arith.muli %add3A_27, %mul3A_30 : i32
      %add3A_32 = arith.addi %mul3A_29, %mul3A_31 : i32
      "tpu.region"() ({
        %run_scoped3A = tpu.sem_alloc : memref<!tpu.dma_semaphore, #tpu.memory_space<semaphore_mem>>
        %dma_start3A_49 = arith.constant 0 : i32
        %dma_start3A_50 = tpu.memref_slice %arg3[%add3A_32, %dma_start3A_49] : memref<2560x128xi32, #tpu.memory_space<hbm>> -> memref<40x128xi32, #tpu.memory_space<hbm>>
        %dma_start3A_51 = arith.constant 0 : i32
        %dma_start3A_52 = tpu.memref_slice %arg3[%add3A_32, %dma_start3A_51] : memref<2560x128xi32, #tpu.memory_space<hbm>> -> memref<40x128xi32, #tpu.memory_space<hbm>>
        tpu.enqueue_dma source(%dma_start3A_52 : memref<40x128xi32, #tpu.memory_space<hbm>>) target(%arg8 : memref<40x128xi32, #tpu.memory_space<vmem>>) target_semaphore(%run_scoped3A : memref<!tpu.dma_semaphore, #tpu.memory_space<semaphore_mem>>)
        %dma_wait3A = arith.constant 0 : i32
        %dma_wait3A_53 = tpu.memref_slice %arg3[%add3A_32, %dma_wait3A] : memref<2560x128xi32, #tpu.memory_space<hbm>> -> memref<40x128xi32, #tpu.memory_space<hbm>>
        %dma_wait3A_54 = arith.constant 0 : i32
        %dma_wait3A_55 = tpu.memref_slice %arg3[%add3A_32, %dma_wait3A_54] : memref<2560x128xi32, #tpu.memory_space<hbm>> -> memref<40x128xi32, #tpu.memory_space<hbm>>
        tpu.wait_dma2 semaphore(%run_scoped3A : memref<!tpu.dma_semaphore, #tpu.memory_space<semaphore_mem>>) src(%dma_wait3A_55 : memref<40x128xi32, #tpu.memory_space<hbm>>) dst(%arg8 : memref<40x128xi32, #tpu.memory_space<vmem>>)
        tpu.yield
      }) : () -> ()
      "tpu.region"() ({
        %run_scoped3A = tpu.sem_alloc : memref<!tpu.dma_semaphore, #tpu.memory_space<semaphore_mem>>
        %dma_start3A_49 = arith.constant 0 : i32
        %dma_start3A_50 = tpu.memref_slice %arg4[%add3A_32, %dma_start3A_49] : memref<2560x128xi32, #tpu.memory_space<hbm>> -> memref<40x128xi32, #tpu.memory_space<hbm>>
        %dma_start3A_51 = arith.constant 0 : i32
        %dma_start3A_52 = tpu.memref_slice %arg4[%add3A_32, %dma_start3A_51] : memref<2560x128xi32, #tpu.memory_space<hbm>> -> memref<40x128xi32, #tpu.memory_space<hbm>>
        tpu.enqueue_dma source(%dma_start3A_52 : memref<40x128xi32, #tpu.memory_space<hbm>>) target(%arg9 : memref<40x128xi32, #tpu.memory_space<vmem>>) target_semaphore(%run_scoped3A : memref<!tpu.dma_semaphore, #tpu.memory_space<semaphore_mem>>)
        %dma_wait3A = arith.constant 0 : i32
        %dma_wait3A_53 = tpu.memref_slice %arg4[%add3A_32, %dma_wait3A] : memref<2560x128xi32, #tpu.memory_space<hbm>> -> memref<40x128xi32, #tpu.memory_space<hbm>>
        %dma_wait3A_54 = arith.constant 0 : i32
        %dma_wait3A_55 = tpu.memref_slice %arg4[%add3A_32, %dma_wait3A_54] : memref<2560x128xi32, #tpu.memory_space<hbm>> -> memref<40x128xi32, #tpu.memory_space<hbm>>
        tpu.wait_dma2 semaphore(%run_scoped3A : memref<!tpu.dma_semaphore, #tpu.memory_space<semaphore_mem>>) src(%dma_wait3A_55 : memref<40x128xi32, #tpu.memory_space<hbm>>) dst(%arg9 : memref<40x128xi32, #tpu.memory_space<vmem>>)
        tpu.yield
      }) : () -> ()
      %dma_start3A = arith.constant 0 : i32
      %dma_start3A_33 = arith.constant 0 : i32
      %dma_start3A_34 = tpu.memref_slice %arg8[%dma_start3A, %dma_start3A_33] : memref<40x128xi32, #tpu.memory_space<vmem>> -> memref<1x128xi32, #tpu.memory_space<vmem>>
      %dma_start3A_35 = tpu.memref_squeeze %dma_start3A_34 : memref<1x128xi32, #tpu.memory_space<vmem>> -> memref<128xi32, #tpu.memory_space<vmem>>
      %dma_start3A_36 = arith.constant 0 : i32
      %dma_start3A_37 = arith.constant 0 : i32
      %dma_start3A_38 = tpu.memref_slice %arg2[%dma_start3A_36, %dma_start3A_37] : memref<10000x128xf32, #tpu.memory_space<hbm>> -> memref<10000x128xf32, #tpu.memory_space<hbm>>
      tpu.enqueue_indirect_dma source(%dma_start3A_38 : memref<10000x128xf32, #tpu.memory_space<hbm>>) target(%arg10 : memref<128x128xf32, #tpu.memory_space<vmem>>) offsets(%dma_start3A_35 : memref<128xi32, #tpu.memory_space<vmem>>) semaphore(%arg12 : memref<!tpu.dma_semaphore, #tpu.memory_space<semaphore_mem>>)
      %eq3A_39 = arith.constant 0 : i32
      %eq3A_40 = arith.cmpi eq, %add3A_27, %eq3A_39 : i32
      %convert_element_type3A_41 = arith.extui %eq3A_40 : i1 to i32
      %cond3A_42 = arith.constant 0 : i32
      %cond3A_43 = arith.cmpi ne, %convert_element_type3A_41, %cond3A_42 : i32
      scf.if %cond3A_43 {
        %eq3A_49 = arith.constant 1 : i32
        %eq3A_50 = arith.cmpi eq, %arg0, %eq3A_49 : i32
        %lt3A_51 = arith.constant 15 : i32
        %lt3A_52 = arith.cmpi slt, %arg1, %lt3A_51 : i32
        %or3A = arith.ori %eq3A_50, %lt3A_52 : i1
        %convert_element_type3A_53 = arith.extui %or3A : i1 to i32
        %cond3A_54 = arith.constant 0 : i32
        %cond3A_55 = arith.cmpi ne, %convert_element_type3A_53, %cond3A_54 : i32
        scf.if %cond3A_55 {
          %dma_wait3A = arith.constant 0 : i32
          %dma_wait3A_65 = tpu.memref_slice %arg7[%mul3A_2, %dma_wait3A] : memref<10240x128xf32, #tpu.memory_space<vmem_shared>> -> memref<640x128xf32, #tpu.memory_space<vmem_shared>>
          %dma_wait3A_66 = arith.constant 0 : i32
          %dma_wait3A_67 = arith.constant 0 : i32
          %dma_wait3A_68 = tpu.memref_slice %arg5[%dma_wait3A_66, %dma_wait3A_67] : memref<10240x128xf32, #tpu.memory_space<hbm>> -> memref<640x128xf32, #tpu.memory_space<hbm>>
          tpu.wait_dma2 semaphore(%arg13 : memref<!tpu.dma_semaphore, #tpu.memory_space<semaphore_mem>>) src(%dma_wait3A_68 : memref<640x128xf32, #tpu.memory_space<hbm>>) dst(%dma_wait3A_65 : memref<640x128xf32, #tpu.memory_space<vmem_shared>>)
        } else {
        }
        %eq3A_56 = arith.constant 0 : i32
        %eq3A_57 = arith.cmpi eq, %arg0, %eq3A_56 : i32
        %eq3A_58 = arith.constant 15 : i32
        %eq3A_59 = arith.cmpi eq, %arg1, %eq3A_58 : i32
        %and3A_60 = arith.andi %eq3A_57, %eq3A_59 : i1
        %convert_element_type3A_61 = arith.extui %and3A_60 : i1 to i32
        %cond3A_62 = arith.constant 0 : i32
        %cond3A_63 = arith.cmpi ne, %convert_element_type3A_61, %cond3A_62 : i32
        scf.if %cond3A_63 {
          %dma_wait3A = arith.constant 0 : i32
          %dma_wait3A_65 = tpu.memref_slice %arg7[%mul3A_2, %dma_wait3A] : memref<10240x128xf32, #tpu.memory_space<vmem_shared>> -> memref<400x128xf32, #tpu.memory_space<vmem_shared>>
          %dma_wait3A_66 = arith.constant 0 : i32
          %dma_wait3A_67 = arith.constant 0 : i32
          %dma_wait3A_68 = tpu.memref_slice %arg5[%dma_wait3A_66, %dma_wait3A_67] : memref<10240x128xf32, #tpu.memory_space<hbm>> -> memref<400x128xf32, #tpu.memory_space<hbm>>
          tpu.wait_dma2 semaphore(%arg13 : memref<!tpu.dma_semaphore, #tpu.memory_space<semaphore_mem>>) src(%dma_wait3A_68 : memref<400x128xf32, #tpu.memory_space<hbm>>) dst(%dma_wait3A_65 : memref<400x128xf32, #tpu.memory_space<vmem_shared>>)
        } else {
        }
        %barrier3A_64 = arith.constant 0 : index
        tpu.barrier barrier_id(%barrier3A_64)
      } else {
      }
      %scan3A_44 = arith.constant 0 : i32
      %scan3A_45 = arith.constant 20 : i32
      %scan3A_46 = arith.addi %scan3A_44, %scan3A_45 : i32
      %scan3A_47 = arith.constant 1 : i32
      scf.for %scan3A_49 = %scan3A_44 to %scan3A_46 step %scan3A_47  : i32 {
        %mul3A_50 = arith.constant 2 : i32
        %mul3A_51 = arith.muli %scan3A_49, %mul3A_50 : i32
        %add3A_52 = arith.constant 0 : i32
        %add3A_53 = arith.addi %add3A_52, %mul3A_51 : i32
        %add3A_54 = arith.constant 1 : i32
        %add3A_55 = arith.addi %add3A_53, %add3A_54 : i32
        %dma_start3A_56 = arith.constant 0 : i32
        %dma_start3A_57 = tpu.memref_slice %arg8[%add3A_55, %dma_start3A_56] : memref<40x128xi32, #tpu.memory_space<vmem>> -> memref<1x128xi32, #tpu.memory_space<vmem>>
        %dma_start3A_58 = tpu.memref_squeeze %dma_start3A_57 : memref<1x128xi32, #tpu.memory_space<vmem>> -> memref<128xi32, #tpu.memory_space<vmem>>
        %dma_start3A_59 = arith.constant 0 : i32
        %dma_start3A_60 = arith.constant 0 : i32
        %dma_start3A_61 = tpu.memref_slice %arg2[%dma_start3A_59, %dma_start3A_60] : memref<10000x128xf32, #tpu.memory_space<hbm>> -> memref<10000x128xf32, #tpu.memory_space<hbm>>
        tpu.enqueue_indirect_dma source(%dma_start3A_61 : memref<10000x128xf32, #tpu.memory_space<hbm>>) target(%arg11 : memref<128x128xf32, #tpu.memory_space<vmem>>) offsets(%dma_start3A_58 : memref<128xi32, #tpu.memory_space<vmem>>) semaphore(%arg13 : memref<!tpu.dma_semaphore, #tpu.memory_space<semaphore_mem>>)
        %dma_wait3A = arith.constant 0 : i32
        %dma_wait3A_62 = tpu.memref_slice %arg8[%add3A_53, %dma_wait3A] : memref<40x128xi32, #tpu.memory_space<vmem>> -> memref<1x128xi32, #tpu.memory_space<vmem>>
        %dma_wait3A_63 = tpu.memref_squeeze %dma_wait3A_62 : memref<1x128xi32, #tpu.memory_space<vmem>> -> memref<128xi32, #tpu.memory_space<vmem>>
        %dma_wait3A_64 = arith.constant 0 : i32
        %dma_wait3A_65 = arith.constant 0 : i32
        %dma_wait3A_66 = tpu.memref_slice %arg2[%dma_wait3A_64, %dma_wait3A_65] : memref<10000x128xf32, #tpu.memory_space<hbm>> -> memref<10000x128xf32, #tpu.memory_space<hbm>>
        tpu.wait_indirect_dma semaphore(%arg12 : memref<!tpu.dma_semaphore, #tpu.memory_space<semaphore_mem>>) src(%dma_wait3A_66 : memref<10000x128xf32, #tpu.memory_space<hbm>>) dst(%arg10 : memref<128x128xf32, #tpu.memory_space<vmem>>)
        "tpu.region"() ({
          %run_scoped3A = tpu.sem_alloc : memref<!tpu.dma_semaphore, #tpu.memory_space<semaphore_mem>>
          %dma_start3A_84 = arith.constant 0 : i32
          %dma_start3A_85 = tpu.memref_slice %arg9[%add3A_53, %dma_start3A_84] : memref<40x128xi32, #tpu.memory_space<vmem>> -> memref<1x128xi32, #tpu.memory_space<vmem>>
          %dma_start3A_86 = tpu.memref_squeeze %dma_start3A_85 : memref<1x128xi32, #tpu.memory_space<vmem>> -> memref<128xi32, #tpu.memory_space<vmem>>
          %dma_start3A_87 = arith.constant 0 : i32
          %dma_start3A_88 = arith.constant 0 : i32
          %dma_start3A_89 = tpu.memref_slice %arg7[%dma_start3A_87, %dma_start3A_88] : memref<10240x128xf32, #tpu.memory_space<vmem_shared>> -> memref<10240x128xf32, #tpu.memory_space<vmem_shared>>
          tpu.enqueue_indirect_dma source(%arg10 : memref<128x128xf32, #tpu.memory_space<vmem>>) target(%dma_start3A_89 : memref<10240x128xf32, #tpu.memory_space<vmem_shared>>) offsets(%dma_start3A_86 : memref<128xi32, #tpu.memory_space<vmem>>) semaphore(%run_scoped3A : memref<!tpu.dma_semaphore, #tpu.memory_space<semaphore_mem>>) {add = true}
          %dma_wait3A_90 = arith.constant 0 : i32
          %dma_wait3A_91 = tpu.memref_slice %arg9[%add3A_53, %dma_wait3A_90] : memref<40x128xi32, #tpu.memory_space<vmem>> -> memref<1x128xi32, #tpu.memory_space<vmem>>
          %dma_wait3A_92 = tpu.memref_squeeze %dma_wait3A_91 : memref<1x128xi32, #tpu.memory_space<vmem>> -> memref<128xi32, #tpu.memory_space<vmem>>
          %dma_wait3A_93 = arith.constant 0 : i32
          %dma_wait3A_94 = arith.constant 0 : i32
          %dma_wait3A_95 = tpu.memref_slice %arg7[%dma_wait3A_93, %dma_wait3A_94] : memref<10240x128xf32, #tpu.memory_space<vmem_shared>> -> memref<10240x128xf32, #tpu.memory_space<vmem_shared>>
          tpu.wait_indirect_dma semaphore(%run_scoped3A : memref<!tpu.dma_semaphore, #tpu.memory_space<semaphore_mem>>) src(%arg10 : memref<128x128xf32, #tpu.memory_space<vmem>>) dst(%dma_wait3A_95 : memref<10240x128xf32, #tpu.memory_space<vmem_shared>>)
          tpu.yield
        }) : () -> ()
        %add3A_67 = arith.constant 2 : i32
        %add3A_68 = arith.addi %add3A_53, %add3A_67 : i32
        %lt3A_69 = arith.constant 40 : i32
        %lt3A_70 = arith.cmpi slt, %add3A_68, %lt3A_69 : i32
        %convert_element_type3A_71 = arith.extui %lt3A_70 : i1 to i32
        %cond3A_72 = arith.constant 0 : i32
        %cond3A_73 = arith.cmpi ne, %convert_element_type3A_71, %cond3A_72 : i32
        scf.if %cond3A_73 {
          %add3A_84 = arith.constant 2 : i32
          %add3A_85 = arith.addi %add3A_53, %add3A_84 : i32
          %dma_start3A_86 = arith.constant 0 : i32
          %dma_start3A_87 = tpu.memref_slice %arg8[%add3A_85, %dma_start3A_86] : memref<40x128xi32, #tpu.memory_space<vmem>> -> memref<1x128xi32, #tpu.memory_space<vmem>>
          %dma_start3A_88 = tpu.memref_squeeze %dma_start3A_87 : memref<1x128xi32, #tpu.memory_space<vmem>> -> memref<128xi32, #tpu.memory_space<vmem>>
          %dma_start3A_89 = arith.constant 0 : i32
          %dma_start3A_90 = arith.constant 0 : i32
          %dma_start3A_91 = tpu.memref_slice %arg2[%dma_start3A_89, %dma_start3A_90] : memref<10000x128xf32, #tpu.memory_space<hbm>> -> memref<10000x128xf32, #tpu.memory_space<hbm>>
          tpu.enqueue_indirect_dma source(%dma_start3A_91 : memref<10000x128xf32, #tpu.memory_space<hbm>>) target(%arg10 : memref<128x128xf32, #tpu.memory_space<vmem>>) offsets(%dma_start3A_88 : memref<128xi32, #tpu.memory_space<vmem>>) semaphore(%arg12 : memref<!tpu.dma_semaphore, #tpu.memory_space<semaphore_mem>>)
        } else {
        }
        %add3A_74 = arith.constant 1 : i32
        %add3A_75 = arith.addi %add3A_53, %add3A_74 : i32
        %dma_wait3A_76 = arith.constant 0 : i32
        %dma_wait3A_77 = tpu.memref_slice %arg8[%add3A_75, %dma_wait3A_76] : memref<40x128xi32, #tpu.memory_space<vmem>> -> memref<1x128xi32, #tpu.memory_space<vmem>>
        %dma_wait3A_78 = tpu.memref_squeeze %dma_wait3A_77 : memref<1x128xi32, #tpu.memory_space<vmem>> -> memref<128xi32, #tpu.memory_space<vmem>>
        %dma_wait3A_79 = arith.constant 0 : i32
        %dma_wait3A_80 = arith.constant 0 : i32
        %dma_wait3A_81 = tpu.memref_slice %arg2[%dma_wait3A_79, %dma_wait3A_80] : memref<10000x128xf32, #tpu.memory_space<hbm>> -> memref<10000x128xf32, #tpu.memory_space<hbm>>
        tpu.wait_indirect_dma semaphore(%arg13 : memref<!tpu.dma_semaphore, #tpu.memory_space<semaphore_mem>>) src(%dma_wait3A_81 : memref<10000x128xf32, #tpu.memory_space<hbm>>) dst(%arg11 : memref<128x128xf32, #tpu.memory_space<vmem>>)
        %add3A_82 = arith.constant 1 : i32
        %add3A_83 = arith.addi %add3A_53, %add3A_82 : i32
        "tpu.region"() ({
          %run_scoped3A = tpu.sem_alloc : memref<!tpu.dma_semaphore, #tpu.memory_space<semaphore_mem>>
          %dma_start3A_84 = arith.constant 0 : i32
          %dma_start3A_85 = tpu.memref_slice %arg9[%add3A_83, %dma_start3A_84] : memref<40x128xi32, #tpu.memory_space<vmem>> -> memref<1x128xi32, #tpu.memory_space<vmem>>
          %dma_start3A_86 = tpu.memref_squeeze %dma_start3A_85 : memref<1x128xi32, #tpu.memory_space<vmem>> -> memref<128xi32, #tpu.memory_space<vmem>>
          %dma_start3A_87 = arith.constant 0 : i32
          %dma_start3A_88 = arith.constant 0 : i32
          %dma_start3A_89 = tpu.memref_slice %arg7[%dma_start3A_87, %dma_start3A_88] : memref<10240x128xf32, #tpu.memory_space<vmem_shared>> -> memref<10240x128xf32, #tpu.memory_space<vmem_shared>>
          tpu.enqueue_indirect_dma source(%arg11 : memref<128x128xf32, #tpu.memory_space<vmem>>) target(%dma_start3A_89 : memref<10240x128xf32, #tpu.memory_space<vmem_shared>>) offsets(%dma_start3A_86 : memref<128xi32, #tpu.memory_space<vmem>>) semaphore(%run_scoped3A : memref<!tpu.dma_semaphore, #tpu.memory_space<semaphore_mem>>) {add = true}
          %dma_wait3A_90 = arith.constant 0 : i32
          %dma_wait3A_91 = tpu.memref_slice %arg9[%add3A_83, %dma_wait3A_90] : memref<40x128xi32, #tpu.memory_space<vmem>> -> memref<1x128xi32, #tpu.memory_space<vmem>>
          %dma_wait3A_92 = tpu.memref_squeeze %dma_wait3A_91 : memref<1x128xi32, #tpu.memory_space<vmem>> -> memref<128xi32, #tpu.memory_space<vmem>>
          %dma_wait3A_93 = arith.constant 0 : i32
          %dma_wait3A_94 = arith.constant 0 : i32
          %dma_wait3A_95 = tpu.memref_slice %arg7[%dma_wait3A_93, %dma_wait3A_94] : memref<10240x128xf32, #tpu.memory_space<vmem_shared>> -> memref<10240x128xf32, #tpu.memory_space<vmem_shared>>
          tpu.wait_indirect_dma semaphore(%run_scoped3A : memref<!tpu.dma_semaphore, #tpu.memory_space<semaphore_mem>>) src(%arg11 : memref<128x128xf32, #tpu.memory_space<vmem>>) dst(%dma_wait3A_95 : memref<10240x128xf32, #tpu.memory_space<vmem_shared>>)
          tpu.yield
        }) : () -> ()
      }
      %scan3A_48 = arith.constant 20 : i32
    }
    %scan3A_22 = arith.constant 2 : i32
    %barrier3A = arith.constant 0 : index
    tpu.barrier barrier_id(%barrier3A)
    "tpu.region"() ({
      %run_scoped3A = tpu.sem_alloc : memref<!tpu.dma_semaphore, #tpu.memory_space<semaphore_mem>>
      %dma_start3A = arith.constant 0 : i32
      %dma_start3A_23 = tpu.memref_slice %arg6[%arg0, %mul3A_2, %dma_start3A] : memref<2x10240x128xf32, #tpu.memory_space<hbm>> -> memref<1x640x128xf32, #tpu.memory_space<hbm>>
      %dma_start3A_24 = tpu.memref_squeeze %dma_start3A_23 : memref<1x640x128xf32, #tpu.memory_space<hbm>> -> memref<640x128xf32, #tpu.memory_space<hbm>>
      %dma_start3A_25 = arith.constant 0 : i32
      %dma_start3A_26 = tpu.memref_slice %arg7[%mul3A_2, %dma_start3A_25] : memref<10240x128xf32, #tpu.memory_space<vmem_shared>> -> memref<640x128xf32, #tpu.memory_space<vmem_shared>>
      tpu.enqueue_dma source(%dma_start3A_26 : memref<640x128xf32, #tpu.memory_space<vmem_shared>>) target(%dma_start3A_24 : memref<640x128xf32, #tpu.memory_space<hbm>>) target_semaphore(%run_scoped3A : memref<!tpu.dma_semaphore, #tpu.memory_space<semaphore_mem>>)
      %dma_wait3A = arith.constant 0 : i32
      %dma_wait3A_27 = tpu.memref_slice %arg6[%arg0, %mul3A_2, %dma_wait3A] : memref<2x10240x128xf32, #tpu.memory_space<hbm>> -> memref<1x640x128xf32, #tpu.memory_space<hbm>>
      %dma_wait3A_28 = tpu.memref_squeeze %dma_wait3A_27 : memref<1x640x128xf32, #tpu.memory_space<hbm>> -> memref<640x128xf32, #tpu.memory_space<hbm>>
      %dma_wait3A_29 = arith.constant 0 : i32
      %dma_wait3A_30 = tpu.memref_slice %arg7[%mul3A_2, %dma_wait3A_29] : memref<10240x128xf32, #tpu.memory_space<vmem_shared>> -> memref<640x128xf32, #tpu.memory_space<vmem_shared>>
      tpu.wait_dma2 semaphore(%run_scoped3A : memref<!tpu.dma_semaphore, #tpu.memory_space<semaphore_mem>>) src(%dma_wait3A_30 : memref<640x128xf32, #tpu.memory_space<vmem_shared>>) dst(%dma_wait3A_28 : memref<640x128xf32, #tpu.memory_space<hbm>>)
      tpu.yield
    }) : () -> ()
    return
  }
}

#map = affine_map<(d0, d1) -> (0, 0)>
#map1 = affine_map<(d0, d1) -> (0, 0, 0)>
module attributes {stable_mosaic.version = 14 : i64} {
  func.func @_sc_agg(%arg0: i32, %arg1: i32, %arg2: memref<10000x128xf32, #tpu.memory_space<hbm>>, %arg3: memref<2560x128xi32, #tpu.memory_space<hbm>>, %arg4: memref<2560x128xi32, #tpu.memory_space<hbm>>, %arg5: memref<10240x128xf32, #tpu.memory_space<hbm>>, %arg6: memref<2x10240x128xf32, #tpu.memory_space<hbm>>, %arg7: memref<10240x128xf32, #tpu.memory_space<vmem_shared>>, %arg8: memref<40x128xi32, #tpu.memory_space<vmem>>, %arg9: memref<40x128xi32, #tpu.memory_space<vmem>>, %arg10: memref<128x128xf32, #tpu.memory_space<vmem>>, %arg11: memref<128x128xf32, #tpu.memory_space<vmem>>, %arg12: memref<!tpu.dma_semaphore, #tpu.memory_space<semaphore_mem>>, %arg13: memref<!tpu.dma_semaphore, #tpu.memory_space<semaphore_mem>>) attributes {dimension_semantics = [#tpu.dimension_semantics<core_parallel>, #tpu.dimension_semantics<subcore_parallel>], iteration_bounds = array<i64: 2, 16>, scalar_prefetch = 0 : i64, scratch_operands = 7 : i64, tpu.core_type = #tpu.core_type<sc_vector_subcore>, window_params = [{transform_indices = #map}, {transform_indices = #map}, {transform_indices = #map}, {transform_indices = #map}, {transform_indices = #map1}]} {
    %mul3A = arith.constant 16 : i32
    %mul3A_0 = arith.muli %arg0, %mul3A : i32
    %add3A = arith.addi %mul3A_0, %arg1 : i32
    %mul3A_1 = arith.constant 640 : i32
    %mul3A_2 = arith.muli %arg1, %mul3A_1 : i32
    %eq3A = arith.constant 0 : i32
    %eq3A_3 = arith.cmpi eq, %arg0, %eq3A : i32
    %lt3A = arith.constant 15 : i32
    %lt3A_4 = arith.cmpi slt, %arg1, %lt3A : i32
    %and3A = arith.andi %eq3A_3, %lt3A_4 : i1
    %convert_element_type3A = arith.extui %and3A : i1 to i32
    %cond3A = arith.constant 0 : i32
    %cond3A_5 = arith.cmpi ne, %convert_element_type3A, %cond3A : i32
    scf.if %cond3A_5 {
      %dma_start3A = arith.constant 0 : i32
      %dma_start3A_23 = tpu.memref_slice %arg7[%mul3A_2, %dma_start3A] : memref<10240x128xf32, #tpu.memory_space<vmem_shared>> -> memref<640x128xf32, #tpu.memory_space<vmem_shared>>
      %dma_start3A_24 = arith.constant 0 : i32
      %dma_start3A_25 = tpu.memref_slice %arg2[%mul3A_2, %dma_start3A_24] : memref<10000x128xf32, #tpu.memory_space<hbm>> -> memref<640x128xf32, #tpu.memory_space<hbm>>
      tpu.enqueue_dma source(%dma_start3A_25 : memref<640x128xf32, #tpu.memory_space<hbm>>) target(%dma_start3A_23 : memref<640x128xf32, #tpu.memory_space<vmem_shared>>) target_semaphore(%arg13 : memref<!tpu.dma_semaphore, #tpu.memory_space<semaphore_mem>>)
    } else {
    }
    %eq3A_6 = arith.constant 0 : i32
    %eq3A_7 = arith.cmpi eq, %arg0, %eq3A_6 : i32
    %eq3A_8 = arith.constant 15 : i32
    %eq3A_9 = arith.cmpi eq, %arg1, %eq3A_8 : i32
    %and3A_10 = arith.andi %eq3A_7, %eq3A_9 : i1
    %convert_element_type3A_11 = arith.extui %and3A_10 : i1 to i32
    %cond3A_12 = arith.constant 0 : i32
    %cond3A_13 = arith.cmpi ne, %convert_element_type3A_11, %cond3A_12 : i32
    scf.if %cond3A_13 {
      "tpu.region"() ({
        %run_scoped3A = tpu.sem_alloc : memref<!tpu.dma_semaphore, #tpu.memory_space<semaphore_mem>>
        %dma_start3A_26 = arith.constant 10000 : i32
        %dma_start3A_27 = arith.constant 0 : i32
        %dma_start3A_28 = tpu.memref_slice %arg7[%dma_start3A_26, %dma_start3A_27] : memref<10240x128xf32, #tpu.memory_space<vmem_shared>> -> memref<240x128xf32, #tpu.memory_space<vmem_shared>>
        %dma_start3A_29 = arith.constant 10000 : i32
        %dma_start3A_30 = arith.constant 0 : i32
        %dma_start3A_31 = tpu.memref_slice %arg5[%dma_start3A_29, %dma_start3A_30] : memref<10240x128xf32, #tpu.memory_space<hbm>> -> memref<240x128xf32, #tpu.memory_space<hbm>>
        tpu.enqueue_dma source(%dma_start3A_31 : memref<240x128xf32, #tpu.memory_space<hbm>>) target(%dma_start3A_28 : memref<240x128xf32, #tpu.memory_space<vmem_shared>>) target_semaphore(%run_scoped3A : memref<!tpu.dma_semaphore, #tpu.memory_space<semaphore_mem>>)
        %dma_wait3A = arith.constant 10000 : i32
        %dma_wait3A_32 = arith.constant 0 : i32
        %dma_wait3A_33 = tpu.memref_slice %arg7[%dma_wait3A, %dma_wait3A_32] : memref<10240x128xf32, #tpu.memory_space<vmem_shared>> -> memref<240x128xf32, #tpu.memory_space<vmem_shared>>
        %dma_wait3A_34 = arith.constant 10000 : i32
        %dma_wait3A_35 = arith.constant 0 : i32
        %dma_wait3A_36 = tpu.memref_slice %arg5[%dma_wait3A_34, %dma_wait3A_35] : memref<10240x128xf32, #tpu.memory_space<hbm>> -> memref<240x128xf32, #tpu.memory_space<hbm>>
        tpu.wait_dma2 semaphore(%run_scoped3A : memref<!tpu.dma_semaphore, #tpu.memory_space<semaphore_mem>>) src(%dma_wait3A_36 : memref<240x128xf32, #tpu.memory_space<hbm>>) dst(%dma_wait3A_33 : memref<240x128xf32, #tpu.memory_space<vmem_shared>>)
        tpu.yield
      }) : () -> ()
      %dma_start3A = arith.constant 0 : i32
      %dma_start3A_23 = tpu.memref_slice %arg7[%mul3A_2, %dma_start3A] : memref<10240x128xf32, #tpu.memory_space<vmem_shared>> -> memref<400x128xf32, #tpu.memory_space<vmem_shared>>
      %dma_start3A_24 = arith.constant 0 : i32
      %dma_start3A_25 = tpu.memref_slice %arg2[%mul3A_2, %dma_start3A_24] : memref<10000x128xf32, #tpu.memory_space<hbm>> -> memref<400x128xf32, #tpu.memory_space<hbm>>
      tpu.enqueue_dma source(%dma_start3A_25 : memref<400x128xf32, #tpu.memory_space<hbm>>) target(%dma_start3A_23 : memref<400x128xf32, #tpu.memory_space<vmem_shared>>) target_semaphore(%arg13 : memref<!tpu.dma_semaphore, #tpu.memory_space<semaphore_mem>>)
    } else {
    }
    %eq3A_14 = arith.constant 1 : i32
    %eq3A_15 = arith.cmpi eq, %arg0, %eq3A_14 : i32
    %convert_element_type3A_16 = arith.extui %eq3A_15 : i1 to i32
    %cond3A_17 = arith.constant 0 : i32
    %cond3A_18 = arith.cmpi ne, %convert_element_type3A_16, %cond3A_17 : i32
    scf.if %cond3A_18 {
      %dma_start3A = arith.constant 0 : i32
      %dma_start3A_23 = tpu.memref_slice %arg7[%mul3A_2, %dma_start3A] : memref<10240x128xf32, #tpu.memory_space<vmem_shared>> -> memref<640x128xf32, #tpu.memory_space<vmem_shared>>
      %dma_start3A_24 = arith.constant 0 : i32
      %dma_start3A_25 = tpu.memref_slice %arg5[%mul3A_2, %dma_start3A_24] : memref<10240x128xf32, #tpu.memory_space<hbm>> -> memref<640x128xf32, #tpu.memory_space<hbm>>
      tpu.enqueue_dma source(%dma_start3A_25 : memref<640x128xf32, #tpu.memory_space<hbm>>) target(%dma_start3A_23 : memref<640x128xf32, #tpu.memory_space<vmem_shared>>) target_semaphore(%arg13 : memref<!tpu.dma_semaphore, #tpu.memory_space<semaphore_mem>>)
    } else {
    }
    %scan3A = arith.constant 0 : i32
    %scan3A_19 = arith.constant 2 : i32
    %scan3A_20 = arith.addi %scan3A, %scan3A_19 : i32
    %scan3A_21 = arith.constant 1 : i32
    scf.for %scan3A_23 = %scan3A to %scan3A_20 step %scan3A_21  : i32 {
      %mul3A_24 = arith.constant 1 : i32
      %mul3A_25 = arith.muli %scan3A_23, %mul3A_24 : i32
      %add3A_26 = arith.constant 0 : i32
      %add3A_27 = arith.addi %add3A_26, %mul3A_25 : i32
      %mul3A_28 = arith.constant 80 : i32
      %mul3A_29 = arith.muli %add3A, %mul3A_28 : i32
      %mul3A_30 = arith.constant 40 : i32
      %mul3A_31 = arith.muli %add3A_27, %mul3A_30 : i32
      %add3A_32 = arith.addi %mul3A_29, %mul3A_31 : i32
      "tpu.region"() ({
        %run_scoped3A = tpu.sem_alloc : memref<!tpu.dma_semaphore, #tpu.memory_space<semaphore_mem>>
        %dma_start3A_49 = arith.constant 0 : i32
        %dma_start3A_50 = tpu.memref_slice %arg3[%add3A_32, %dma_start3A_49] : memref<2560x128xi32, #tpu.memory_space<hbm>> -> memref<40x128xi32, #tpu.memory_space<hbm>>
        %dma_start3A_51 = arith.constant 0 : i32
        %dma_start3A_52 = tpu.memref_slice %arg3[%add3A_32, %dma_start3A_51] : memref<2560x128xi32, #tpu.memory_space<hbm>> -> memref<40x128xi32, #tpu.memory_space<hbm>>
        tpu.enqueue_dma source(%dma_start3A_52 : memref<40x128xi32, #tpu.memory_space<hbm>>) target(%arg8 : memref<40x128xi32, #tpu.memory_space<vmem>>) target_semaphore(%run_scoped3A : memref<!tpu.dma_semaphore, #tpu.memory_space<semaphore_mem>>)
        %dma_wait3A = arith.constant 0 : i32
        %dma_wait3A_53 = tpu.memref_slice %arg3[%add3A_32, %dma_wait3A] : memref<2560x128xi32, #tpu.memory_space<hbm>> -> memref<40x128xi32, #tpu.memory_space<hbm>>
        %dma_wait3A_54 = arith.constant 0 : i32
        %dma_wait3A_55 = tpu.memref_slice %arg3[%add3A_32, %dma_wait3A_54] : memref<2560x128xi32, #tpu.memory_space<hbm>> -> memref<40x128xi32, #tpu.memory_space<hbm>>
        tpu.wait_dma2 semaphore(%run_scoped3A : memref<!tpu.dma_semaphore, #tpu.memory_space<semaphore_mem>>) src(%dma_wait3A_55 : memref<40x128xi32, #tpu.memory_space<hbm>>) dst(%arg8 : memref<40x128xi32, #tpu.memory_space<vmem>>)
        tpu.yield
      }) : () -> ()
      "tpu.region"() ({
        %run_scoped3A = tpu.sem_alloc : memref<!tpu.dma_semaphore, #tpu.memory_space<semaphore_mem>>
        %dma_start3A_49 = arith.constant 0 : i32
        %dma_start3A_50 = tpu.memref_slice %arg4[%add3A_32, %dma_start3A_49] : memref<2560x128xi32, #tpu.memory_space<hbm>> -> memref<40x128xi32, #tpu.memory_space<hbm>>
        %dma_start3A_51 = arith.constant 0 : i32
        %dma_start3A_52 = tpu.memref_slice %arg4[%add3A_32, %dma_start3A_51] : memref<2560x128xi32, #tpu.memory_space<hbm>> -> memref<40x128xi32, #tpu.memory_space<hbm>>
        tpu.enqueue_dma source(%dma_start3A_52 : memref<40x128xi32, #tpu.memory_space<hbm>>) target(%arg9 : memref<40x128xi32, #tpu.memory_space<vmem>>) target_semaphore(%run_scoped3A : memref<!tpu.dma_semaphore, #tpu.memory_space<semaphore_mem>>)
        %dma_wait3A = arith.constant 0 : i32
        %dma_wait3A_53 = tpu.memref_slice %arg4[%add3A_32, %dma_wait3A] : memref<2560x128xi32, #tpu.memory_space<hbm>> -> memref<40x128xi32, #tpu.memory_space<hbm>>
        %dma_wait3A_54 = arith.constant 0 : i32
        %dma_wait3A_55 = tpu.memref_slice %arg4[%add3A_32, %dma_wait3A_54] : memref<2560x128xi32, #tpu.memory_space<hbm>> -> memref<40x128xi32, #tpu.memory_space<hbm>>
        tpu.wait_dma2 semaphore(%run_scoped3A : memref<!tpu.dma_semaphore, #tpu.memory_space<semaphore_mem>>) src(%dma_wait3A_55 : memref<40x128xi32, #tpu.memory_space<hbm>>) dst(%arg9 : memref<40x128xi32, #tpu.memory_space<vmem>>)
        tpu.yield
      }) : () -> ()
      %dma_start3A = arith.constant 0 : i32
      %dma_start3A_33 = arith.constant 0 : i32
      %dma_start3A_34 = tpu.memref_slice %arg8[%dma_start3A, %dma_start3A_33] : memref<40x128xi32, #tpu.memory_space<vmem>> -> memref<1x128xi32, #tpu.memory_space<vmem>>
      %dma_start3A_35 = tpu.memref_squeeze %dma_start3A_34 : memref<1x128xi32, #tpu.memory_space<vmem>> -> memref<128xi32, #tpu.memory_space<vmem>>
      %dma_start3A_36 = arith.constant 0 : i32
      %dma_start3A_37 = arith.constant 0 : i32
      %dma_start3A_38 = tpu.memref_slice %arg2[%dma_start3A_36, %dma_start3A_37] : memref<10000x128xf32, #tpu.memory_space<hbm>> -> memref<10000x128xf32, #tpu.memory_space<hbm>>
      tpu.enqueue_indirect_dma source(%dma_start3A_38 : memref<10000x128xf32, #tpu.memory_space<hbm>>) target(%arg10 : memref<128x128xf32, #tpu.memory_space<vmem>>) offsets(%dma_start3A_35 : memref<128xi32, #tpu.memory_space<vmem>>) semaphore(%arg12 : memref<!tpu.dma_semaphore, #tpu.memory_space<semaphore_mem>>)
      %eq3A_39 = arith.constant 0 : i32
      %eq3A_40 = arith.cmpi eq, %add3A_27, %eq3A_39 : i32
      %convert_element_type3A_41 = arith.extui %eq3A_40 : i1 to i32
      %cond3A_42 = arith.constant 0 : i32
      %cond3A_43 = arith.cmpi ne, %convert_element_type3A_41, %cond3A_42 : i32
      scf.if %cond3A_43 {
        %eq3A_49 = arith.constant 1 : i32
        %eq3A_50 = arith.cmpi eq, %arg0, %eq3A_49 : i32
        %lt3A_51 = arith.constant 15 : i32
        %lt3A_52 = arith.cmpi slt, %arg1, %lt3A_51 : i32
        %or3A = arith.ori %eq3A_50, %lt3A_52 : i1
        %convert_element_type3A_53 = arith.extui %or3A : i1 to i32
        %cond3A_54 = arith.constant 0 : i32
        %cond3A_55 = arith.cmpi ne, %convert_element_type3A_53, %cond3A_54 : i32
        scf.if %cond3A_55 {
          %dma_wait3A = arith.constant 0 : i32
          %dma_wait3A_65 = tpu.memref_slice %arg7[%mul3A_2, %dma_wait3A] : memref<10240x128xf32, #tpu.memory_space<vmem_shared>> -> memref<640x128xf32, #tpu.memory_space<vmem_shared>>
          %dma_wait3A_66 = arith.constant 0 : i32
          %dma_wait3A_67 = arith.constant 0 : i32
          %dma_wait3A_68 = tpu.memref_slice %arg5[%dma_wait3A_66, %dma_wait3A_67] : memref<10240x128xf32, #tpu.memory_space<hbm>> -> memref<640x128xf32, #tpu.memory_space<hbm>>
          tpu.wait_dma2 semaphore(%arg13 : memref<!tpu.dma_semaphore, #tpu.memory_space<semaphore_mem>>) src(%dma_wait3A_68 : memref<640x128xf32, #tpu.memory_space<hbm>>) dst(%dma_wait3A_65 : memref<640x128xf32, #tpu.memory_space<vmem_shared>>)
        } else {
        }
        %eq3A_56 = arith.constant 0 : i32
        %eq3A_57 = arith.cmpi eq, %arg0, %eq3A_56 : i32
        %eq3A_58 = arith.constant 15 : i32
        %eq3A_59 = arith.cmpi eq, %arg1, %eq3A_58 : i32
        %and3A_60 = arith.andi %eq3A_57, %eq3A_59 : i1
        %convert_element_type3A_61 = arith.extui %and3A_60 : i1 to i32
        %cond3A_62 = arith.constant 0 : i32
        %cond3A_63 = arith.cmpi ne, %convert_element_type3A_61, %cond3A_62 : i32
        scf.if %cond3A_63 {
          %dma_wait3A = arith.constant 0 : i32
          %dma_wait3A_65 = tpu.memref_slice %arg7[%mul3A_2, %dma_wait3A] : memref<10240x128xf32, #tpu.memory_space<vmem_shared>> -> memref<400x128xf32, #tpu.memory_space<vmem_shared>>
          %dma_wait3A_66 = arith.constant 0 : i32
          %dma_wait3A_67 = arith.constant 0 : i32
          %dma_wait3A_68 = tpu.memref_slice %arg5[%dma_wait3A_66, %dma_wait3A_67] : memref<10240x128xf32, #tpu.memory_space<hbm>> -> memref<400x128xf32, #tpu.memory_space<hbm>>
          tpu.wait_dma2 semaphore(%arg13 : memref<!tpu.dma_semaphore, #tpu.memory_space<semaphore_mem>>) src(%dma_wait3A_68 : memref<400x128xf32, #tpu.memory_space<hbm>>) dst(%dma_wait3A_65 : memref<400x128xf32, #tpu.memory_space<vmem_shared>>)
        } else {
        }
        %barrier3A_64 = arith.constant 0 : index
        tpu.barrier barrier_id(%barrier3A_64)
      } else {
      }
      %scan3A_44 = arith.constant 0 : i32
      %scan3A_45 = arith.constant 20 : i32
      %scan3A_46 = arith.addi %scan3A_44, %scan3A_45 : i32
      %scan3A_47 = arith.constant 1 : i32
      scf.for %scan3A_49 = %scan3A_44 to %scan3A_46 step %scan3A_47  : i32 {
        %mul3A_50 = arith.constant 2 : i32
        %mul3A_51 = arith.muli %scan3A_49, %mul3A_50 : i32
        %add3A_52 = arith.constant 0 : i32
        %add3A_53 = arith.addi %add3A_52, %mul3A_51 : i32
        %add3A_54 = arith.constant 1 : i32
        %add3A_55 = arith.addi %add3A_53, %add3A_54 : i32
        %dma_start3A_56 = arith.constant 0 : i32
        %dma_start3A_57 = tpu.memref_slice %arg8[%add3A_55, %dma_start3A_56] : memref<40x128xi32, #tpu.memory_space<vmem>> -> memref<1x128xi32, #tpu.memory_space<vmem>>
        %dma_start3A_58 = tpu.memref_squeeze %dma_start3A_57 : memref<1x128xi32, #tpu.memory_space<vmem>> -> memref<128xi32, #tpu.memory_space<vmem>>
        %dma_start3A_59 = arith.constant 0 : i32
        %dma_start3A_60 = arith.constant 0 : i32
        %dma_start3A_61 = tpu.memref_slice %arg2[%dma_start3A_59, %dma_start3A_60] : memref<10000x128xf32, #tpu.memory_space<hbm>> -> memref<10000x128xf32, #tpu.memory_space<hbm>>
        tpu.enqueue_indirect_dma source(%dma_start3A_61 : memref<10000x128xf32, #tpu.memory_space<hbm>>) target(%arg11 : memref<128x128xf32, #tpu.memory_space<vmem>>) offsets(%dma_start3A_58 : memref<128xi32, #tpu.memory_space<vmem>>) semaphore(%arg13 : memref<!tpu.dma_semaphore, #tpu.memory_space<semaphore_mem>>)
        %dma_wait3A = arith.constant 0 : i32
        %dma_wait3A_62 = tpu.memref_slice %arg8[%add3A_53, %dma_wait3A] : memref<40x128xi32, #tpu.memory_space<vmem>> -> memref<1x128xi32, #tpu.memory_space<vmem>>
        %dma_wait3A_63 = tpu.memref_squeeze %dma_wait3A_62 : memref<1x128xi32, #tpu.memory_space<vmem>> -> memref<128xi32, #tpu.memory_space<vmem>>
        %dma_wait3A_64 = arith.constant 0 : i32
        %dma_wait3A_65 = arith.constant 0 : i32
        %dma_wait3A_66 = tpu.memref_slice %arg2[%dma_wait3A_64, %dma_wait3A_65] : memref<10000x128xf32, #tpu.memory_space<hbm>> -> memref<10000x128xf32, #tpu.memory_space<hbm>>
        tpu.wait_indirect_dma semaphore(%arg12 : memref<!tpu.dma_semaphore, #tpu.memory_space<semaphore_mem>>) src(%dma_wait3A_66 : memref<10000x128xf32, #tpu.memory_space<hbm>>) dst(%arg10 : memref<128x128xf32, #tpu.memory_space<vmem>>)
        "tpu.region"() ({
          %run_scoped3A = tpu.sem_alloc : memref<!tpu.dma_semaphore, #tpu.memory_space<semaphore_mem>>
          %dma_start3A_84 = arith.constant 0 : i32
          %dma_start3A_85 = tpu.memref_slice %arg9[%add3A_53, %dma_start3A_84] : memref<40x128xi32, #tpu.memory_space<vmem>> -> memref<1x128xi32, #tpu.memory_space<vmem>>
          %dma_start3A_86 = tpu.memref_squeeze %dma_start3A_85 : memref<1x128xi32, #tpu.memory_space<vmem>> -> memref<128xi32, #tpu.memory_space<vmem>>
          %dma_start3A_87 = arith.constant 0 : i32
          %dma_start3A_88 = arith.constant 0 : i32
          %dma_start3A_89 = tpu.memref_slice %arg7[%dma_start3A_87, %dma_start3A_88] : memref<10240x128xf32, #tpu.memory_space<vmem_shared>> -> memref<10240x128xf32, #tpu.memory_space<vmem_shared>>
          tpu.enqueue_indirect_dma source(%arg10 : memref<128x128xf32, #tpu.memory_space<vmem>>) target(%dma_start3A_89 : memref<10240x128xf32, #tpu.memory_space<vmem_shared>>) offsets(%dma_start3A_86 : memref<128xi32, #tpu.memory_space<vmem>>) semaphore(%run_scoped3A : memref<!tpu.dma_semaphore, #tpu.memory_space<semaphore_mem>>) {add = true}
          %dma_wait3A_90 = arith.constant 0 : i32
          %dma_wait3A_91 = tpu.memref_slice %arg9[%add3A_53, %dma_wait3A_90] : memref<40x128xi32, #tpu.memory_space<vmem>> -> memref<1x128xi32, #tpu.memory_space<vmem>>
          %dma_wait3A_92 = tpu.memref_squeeze %dma_wait3A_91 : memref<1x128xi32, #tpu.memory_space<vmem>> -> memref<128xi32, #tpu.memory_space<vmem>>
          %dma_wait3A_93 = arith.constant 0 : i32
          %dma_wait3A_94 = arith.constant 0 : i32
          %dma_wait3A_95 = tpu.memref_slice %arg7[%dma_wait3A_93, %dma_wait3A_94] : memref<10240x128xf32, #tpu.memory_space<vmem_shared>> -> memref<10240x128xf32, #tpu.memory_space<vmem_shared>>
          tpu.wait_indirect_dma semaphore(%run_scoped3A : memref<!tpu.dma_semaphore, #tpu.memory_space<semaphore_mem>>) src(%arg10 : memref<128x128xf32, #tpu.memory_space<vmem>>) dst(%dma_wait3A_95 : memref<10240x128xf32, #tpu.memory_space<vmem_shared>>)
          tpu.yield
        }) : () -> ()
        %add3A_67 = arith.constant 2 : i32
        %add3A_68 = arith.addi %add3A_53, %add3A_67 : i32
        %lt3A_69 = arith.constant 40 : i32
        %lt3A_70 = arith.cmpi slt, %add3A_68, %lt3A_69 : i32
        %convert_element_type3A_71 = arith.extui %lt3A_70 : i1 to i32
        %cond3A_72 = arith.constant 0 : i32
        %cond3A_73 = arith.cmpi ne, %convert_element_type3A_71, %cond3A_72 : i32
        scf.if %cond3A_73 {
          %add3A_84 = arith.constant 2 : i32
          %add3A_85 = arith.addi %add3A_53, %add3A_84 : i32
          %dma_start3A_86 = arith.constant 0 : i32
          %dma_start3A_87 = tpu.memref_slice %arg8[%add3A_85, %dma_start3A_86] : memref<40x128xi32, #tpu.memory_space<vmem>> -> memref<1x128xi32, #tpu.memory_space<vmem>>
          %dma_start3A_88 = tpu.memref_squeeze %dma_start3A_87 : memref<1x128xi32, #tpu.memory_space<vmem>> -> memref<128xi32, #tpu.memory_space<vmem>>
          %dma_start3A_89 = arith.constant 0 : i32
          %dma_start3A_90 = arith.constant 0 : i32
          %dma_start3A_91 = tpu.memref_slice %arg2[%dma_start3A_89, %dma_start3A_90] : memref<10000x128xf32, #tpu.memory_space<hbm>> -> memref<10000x128xf32, #tpu.memory_space<hbm>>
          tpu.enqueue_indirect_dma source(%dma_start3A_91 : memref<10000x128xf32, #tpu.memory_space<hbm>>) target(%arg10 : memref<128x128xf32, #tpu.memory_space<vmem>>) offsets(%dma_start3A_88 : memref<128xi32, #tpu.memory_space<vmem>>) semaphore(%arg12 : memref<!tpu.dma_semaphore, #tpu.memory_space<semaphore_mem>>)
        } else {
        }
        %add3A_74 = arith.constant 1 : i32
        %add3A_75 = arith.addi %add3A_53, %add3A_74 : i32
        %dma_wait3A_76 = arith.constant 0 : i32
        %dma_wait3A_77 = tpu.memref_slice %arg8[%add3A_75, %dma_wait3A_76] : memref<40x128xi32, #tpu.memory_space<vmem>> -> memref<1x128xi32, #tpu.memory_space<vmem>>
        %dma_wait3A_78 = tpu.memref_squeeze %dma_wait3A_77 : memref<1x128xi32, #tpu.memory_space<vmem>> -> memref<128xi32, #tpu.memory_space<vmem>>
        %dma_wait3A_79 = arith.constant 0 : i32
        %dma_wait3A_80 = arith.constant 0 : i32
        %dma_wait3A_81 = tpu.memref_slice %arg2[%dma_wait3A_79, %dma_wait3A_80] : memref<10000x128xf32, #tpu.memory_space<hbm>> -> memref<10000x128xf32, #tpu.memory_space<hbm>>
        tpu.wait_indirect_dma semaphore(%arg13 : memref<!tpu.dma_semaphore, #tpu.memory_space<semaphore_mem>>) src(%dma_wait3A_81 : memref<10000x128xf32, #tpu.memory_space<hbm>>) dst(%arg11 : memref<128x128xf32, #tpu.memory_space<vmem>>)
        %add3A_82 = arith.constant 1 : i32
        %add3A_83 = arith.addi %add3A_53, %add3A_82 : i32
        "tpu.region"() ({
          %run_scoped3A = tpu.sem_alloc : memref<!tpu.dma_semaphore, #tpu.memory_space<semaphore_mem>>
          %dma_start3A_84 = arith.constant 0 : i32
          %dma_start3A_85 = tpu.memref_slice %arg9[%add3A_83, %dma_start3A_84] : memref<40x128xi32, #tpu.memory_space<vmem>> -> memref<1x128xi32, #tpu.memory_space<vmem>>
          %dma_start3A_86 = tpu.memref_squeeze %dma_start3A_85 : memref<1x128xi32, #tpu.memory_space<vmem>> -> memref<128xi32, #tpu.memory_space<vmem>>
          %dma_start3A_87 = arith.constant 0 : i32
          %dma_start3A_88 = arith.constant 0 : i32
          %dma_start3A_89 = tpu.memref_slice %arg7[%dma_start3A_87, %dma_start3A_88] : memref<10240x128xf32, #tpu.memory_space<vmem_shared>> -> memref<10240x128xf32, #tpu.memory_space<vmem_shared>>
          tpu.enqueue_indirect_dma source(%arg11 : memref<128x128xf32, #tpu.memory_space<vmem>>) target(%dma_start3A_89 : memref<10240x128xf32, #tpu.memory_space<vmem_shared>>) offsets(%dma_start3A_86 : memref<128xi32, #tpu.memory_space<vmem>>) semaphore(%run_scoped3A : memref<!tpu.dma_semaphore, #tpu.memory_space<semaphore_mem>>) {add = true}
          %dma_wait3A_90 = arith.constant 0 : i32
          %dma_wait3A_91 = tpu.memref_slice %arg9[%add3A_83, %dma_wait3A_90] : memref<40x128xi32, #tpu.memory_space<vmem>> -> memref<1x128xi32, #tpu.memory_space<vmem>>
          %dma_wait3A_92 = tpu.memref_squeeze %dma_wait3A_91 : memref<1x128xi32, #tpu.memory_space<vmem>> -> memref<128xi32, #tpu.memory_space<vmem>>
          %dma_wait3A_93 = arith.constant 0 : i32
          %dma_wait3A_94 = arith.constant 0 : i32
          %dma_wait3A_95 = tpu.memref_slice %arg7[%dma_wait3A_93, %dma_wait3A_94] : memref<10240x128xf32, #tpu.memory_space<vmem_shared>> -> memref<10240x128xf32, #tpu.memory_space<vmem_shared>>
          tpu.wait_indirect_dma semaphore(%run_scoped3A : memref<!tpu.dma_semaphore, #tpu.memory_space<semaphore_mem>>) src(%arg11 : memref<128x128xf32, #tpu.memory_space<vmem>>) dst(%dma_wait3A_95 : memref<10240x128xf32, #tpu.memory_space<vmem_shared>>)
          tpu.yield
        }) : () -> ()
      }
      %scan3A_48 = arith.constant 20 : i32
    }
    %scan3A_22 = arith.constant 2 : i32
    %barrier3A = arith.constant 0 : index
    tpu.barrier barrier_id(%barrier3A)
    "tpu.region"() ({
      %run_scoped3A = tpu.sem_alloc : memref<!tpu.dma_semaphore, #tpu.memory_space<semaphore_mem>>
      %dma_start3A = arith.constant 0 : i32
      %dma_start3A_23 = tpu.memref_slice %arg6[%arg0, %mul3A_2, %dma_start3A] : memref<2x10240x128xf32, #tpu.memory_space<hbm>> -> memref<1x640x128xf32, #tpu.memory_space<hbm>>
      %dma_start3A_24 = tpu.memref_squeeze %dma_start3A_23 : memref<1x640x128xf32, #tpu.memory_space<hbm>> -> memref<640x128xf32, #tpu.memory_space<hbm>>
      %dma_start3A_25 = arith.constant 0 : i32
      %dma_start3A_26 = tpu.memref_slice %arg7[%mul3A_2, %dma_start3A_25] : memref<10240x128xf32, #tpu.memory_space<vmem_shared>> -> memref<640x128xf32, #tpu.memory_space<vmem_shared>>
      tpu.enqueue_dma source(%dma_start3A_26 : memref<640x128xf32, #tpu.memory_space<vmem_shared>>) target(%dma_start3A_24 : memref<640x128xf32, #tpu.memory_space<hbm>>) target_semaphore(%run_scoped3A : memref<!tpu.dma_semaphore, #tpu.memory_space<semaphore_mem>>)
      %dma_wait3A = arith.constant 0 : i32
      %dma_wait3A_27 = tpu.memref_slice %arg6[%arg0, %mul3A_2, %dma_wait3A] : memref<2x10240x128xf32, #tpu.memory_space<hbm>> -> memref<1x640x128xf32, #tpu.memory_space<hbm>>
      %dma_wait3A_28 = tpu.memref_squeeze %dma_wait3A_27 : memref<1x640x128xf32, #tpu.memory_space<hbm>> -> memref<640x128xf32, #tpu.memory_space<hbm>>
      %dma_wait3A_29 = arith.constant 0 : i32
      %dma_wait3A_30 = tpu.memref_slice %arg7[%mul3A_2, %dma_wait3A_29] : memref<10240x128xf32, #tpu.memory_space<vmem_shared>> -> memref<640x128xf32, #tpu.memory_space<vmem_shared>>
      tpu.wait_dma2 semaphore(%run_scoped3A : memref<!tpu.dma_semaphore, #tpu.memory_space<semaphore_mem>>) src(%dma_wait3A_30 : memref<640x128xf32, #tpu.memory_space<vmem_shared>>) dst(%dma_wait3A_28 : memref<640x128xf32, #tpu.memory_space<hbm>>)
      tpu.yield
    }) : () -> ()
    return
  }
}

module attributes {stable_mosaic.version = 14 : i64} {
  func.func @_mlp_body(%arg0: i32, %arg1: memref<2x2000x128xf32, #tpu.memory_space<vmem>>, %arg2: memref<128x128xf32, #tpu.memory_space<vmem>>, %arg3: memref<1x128xf32, #tpu.memory_space<vmem>>, %arg4: memref<128x128xf32, #tpu.memory_space<vmem>>, %arg5: memref<1x128xf32, #tpu.memory_space<vmem>>, %arg6: memref<2000x128xf32, #tpu.memory_space<vmem>>) attributes {dimension_semantics = [#tpu.dimension_semantics<arbitrary>], iteration_bounds = array<i64: 5>, scalar_prefetch = 0 : i64, scratch_operands = 0 : i64, tpu.core_type = #tpu.core_type<tc>, window_params = [{transform_indices = @transform_0, window_bounds = array<i64: 2, 2000, 128>}, {pipeline_mode = #tpu.pipeline_mode<synchronous>, transform_indices = @transform_1, window_bounds = array<i64: 128, 128>}, {pipeline_mode = #tpu.pipeline_mode<synchronous>, transform_indices = @transform_2, window_bounds = array<i64: 1, 128>}, {pipeline_mode = #tpu.pipeline_mode<synchronous>, transform_indices = @transform_3, window_bounds = array<i64: 128, 128>}, {pipeline_mode = #tpu.pipeline_mode<synchronous>, transform_indices = @transform_4, window_bounds = array<i64: 1, 128>}, {transform_indices = @transform_5, window_bounds = array<i64: 2000, 128>}]} {
    %get3A = arith.constant 0 : index
    %get3A_0 = arith.constant 0 : index
    %get3A_1 = arith.constant 0 : index
    %get3A_2 = vector.load %arg1[%get3A, %get3A_0, %get3A_1] : memref<2x2000x128xf32, #tpu.memory_space<vmem>>, vector<1x2000x128xf32>
    %get3A_3 = vector.shape_cast %get3A_2 : vector<1x2000x128xf32> to vector<2000x128xf32>
    %get3A_4 = arith.constant 1 : index
    %get3A_5 = arith.constant 0 : index
    %get3A_6 = arith.constant 0 : index
    %get3A_7 = vector.load %arg1[%get3A_4, %get3A_5, %get3A_6] : memref<2x2000x128xf32, #tpu.memory_space<vmem>>, vector<1x2000x128xf32>
    %get3A_8 = vector.shape_cast %get3A_7 : vector<1x2000x128xf32> to vector<2000x128xf32>
    %add3A = arith.addf %get3A_3, %get3A_8 : vector<2000x128xf32>
    %get3A_9 = arith.constant 0 : index
    %get3A_10 = arith.constant 0 : index
    %get3A_11 = vector.load %arg2[%get3A_9, %get3A_10] : memref<128x128xf32, #tpu.memory_space<vmem>>, vector<128x128xf32>
    %dot_general3A = arith.constant dense<0.000000e+00> : vector<2000x128xf32>
    %dot_general3A_12 = tpu.matmul %add3A, %get3A_11, %dot_general3A {dimension_numbers = #tpu.dot_dimension_numbers<[1], [0], [0], [1], [0, 0, 1, 1], [], []>, transpose_lhs_hint = false} : vector<2000x128xf32>, vector<128x128xf32>, vector<2000x128xf32> -> vector<2000x128xf32>
    %get3A_13 = arith.constant 0 : index
    %get3A_14 = arith.constant 0 : index
    %get3A_15 = vector.load %arg3[%get3A_13, %get3A_14] : memref<1x128xf32, #tpu.memory_space<vmem>>, vector<1x128xf32>
    %add3A_16 = vector.broadcast %get3A_15 : vector<1x128xf32> to vector<2000x128xf32>
    %add3A_17 = arith.addf %dot_general3A_12, %add3A_16 : vector<2000x128xf32>
    %max3A = arith.constant 0.000000e+00 : f32
    %max3A_18 = vector.broadcast %max3A : f32 to vector<2000x128xf32>
    %max3A_19 = arith.maximumf %add3A_17, %max3A_18 : vector<2000x128xf32>
    %get3A_20 = arith.constant 0 : index
    %get3A_21 = arith.constant 0 : index
    %get3A_22 = vector.load %arg4[%get3A_20, %get3A_21] : memref<128x128xf32, #tpu.memory_space<vmem>>, vector<128x128xf32>
    %dot_general3A_23 = arith.constant dense<0.000000e+00> : vector<2000x128xf32>
    %dot_general3A_24 = tpu.matmul %max3A_19, %get3A_22, %dot_general3A_23 {dimension_numbers = #tpu.dot_dimension_numbers<[1], [0], [0], [1], [0, 0, 1, 1], [], []>, transpose_lhs_hint = false} : vector<2000x128xf32>, vector<128x128xf32>, vector<2000x128xf32> -> vector<2000x128xf32>
    %get3A_25 = arith.constant 0 : index
    %get3A_26 = arith.constant 0 : index
    %get3A_27 = vector.load %arg5[%get3A_25, %get3A_26] : memref<1x128xf32, #tpu.memory_space<vmem>>, vector<1x128xf32>
    %add3A_28 = vector.broadcast %get3A_27 : vector<1x128xf32> to vector<2000x128xf32>
    %add3A_29 = arith.addf %dot_general3A_24, %add3A_28 : vector<2000x128xf32>
    %swap3A = arith.constant 0 : index
    %swap3A_30 = arith.constant 0 : index
    %swap3A_31 = vector.load %arg6[%swap3A, %swap3A_30] : memref<2000x128xf32, #tpu.memory_space<vmem>>, vector<2000x128xf32>
    tpu.vector_store %arg6[%swap3A, %swap3A_30], %add3A_29 {strides = array<i32>} : memref<2000x128xf32, #tpu.memory_space<vmem>>, vector<2000x128xf32>,
    return
  }
  func.func @transform_0(%arg0: i32) -> (i32, i32, i32) {
    %c0_i32 = arith.constant 0 : i32
    %c0_i32_0 = arith.constant 0 : i32
    %c0_i32_1 = arith.constant 0 : i32
    return %c0_i32, %arg0, %c0_i32_0 : i32, i32, i32
  }
  func.func @transform_1(%arg0: i32) -> (i32, i32) {
    %c0_i32 = arith.constant 0 : i32
    %c0_i32_0 = arith.constant 0 : i32
    %c0_i32_1 = arith.constant 0 : i32
    return %c0_i32, %c0_i32_0 : i32, i32
  }
  func.func @transform_2(%arg0: i32) -> (i32, i32) {
    %c0_i32 = arith.constant 0 : i32
    %c0_i32_0 = arith.constant 0 : i32
    %c0_i32_1 = arith.constant 0 : i32
    return %c0_i32, %c0_i32_0 : i32, i32
  }
  func.func @transform_3(%arg0: i32) -> (i32, i32) {
    %c0_i32 = arith.constant 0 : i32
    %c0_i32_0 = arith.constant 0 : i32
    %c0_i32_1 = arith.constant 0 : i32
    return %c0_i32, %c0_i32_0 : i32, i32
  }
  func.func @transform_4(%arg0: i32) -> (i32, i32) {
    %c0_i32 = arith.constant 0 : i32
    %c0_i32_0 = arith.constant 0 : i32
    %c0_i32_1 = arith.constant 0 : i32
    return %c0_i32, %c0_i32_0 : i32, i32
  }
  func.func @transform_5(%arg0: i32) -> (i32, i32) {
    %c0_i32 = arith.constant 0 : i32
    %c0_i32_0 = arith.constant 0 : i32
    return %arg0, %c0_i32 : i32, i32
  }
}

module attributes {stable_mosaic.version = 14 : i64} {
  func.func @_mlp_body(%arg0: i32, %arg1: memref<2x2000x128xf32, #tpu.memory_space<vmem>>, %arg2: memref<128x128xf32, #tpu.memory_space<vmem>>, %arg3: memref<1x128xf32, #tpu.memory_space<vmem>>, %arg4: memref<128x128xf32, #tpu.memory_space<vmem>>, %arg5: memref<1x128xf32, #tpu.memory_space<vmem>>, %arg6: memref<2000x128xf32, #tpu.memory_space<vmem>>) attributes {dimension_semantics = [#tpu.dimension_semantics<arbitrary>], iteration_bounds = array<i64: 5>, scalar_prefetch = 0 : i64, scratch_operands = 0 : i64, tpu.core_type = #tpu.core_type<tc>, window_params = [{transform_indices = @transform_0, window_bounds = array<i64: 2, 2000, 128>}, {pipeline_mode = #tpu.pipeline_mode<synchronous>, transform_indices = @transform_1, window_bounds = array<i64: 128, 128>}, {pipeline_mode = #tpu.pipeline_mode<synchronous>, transform_indices = @transform_2, window_bounds = array<i64: 1, 128>}, {pipeline_mode = #tpu.pipeline_mode<synchronous>, transform_indices = @transform_3, window_bounds = array<i64: 128, 128>}, {pipeline_mode = #tpu.pipeline_mode<synchronous>, transform_indices = @transform_4, window_bounds = array<i64: 1, 128>}, {transform_indices = @transform_5, window_bounds = array<i64: 2000, 128>}]} {
    %get3A = arith.constant 0 : index
    %get3A_0 = arith.constant 0 : index
    %get3A_1 = arith.constant 0 : index
    %get3A_2 = vector.load %arg1[%get3A, %get3A_0, %get3A_1] : memref<2x2000x128xf32, #tpu.memory_space<vmem>>, vector<1x2000x128xf32>
    %get3A_3 = vector.shape_cast %get3A_2 : vector<1x2000x128xf32> to vector<2000x128xf32>
    %get3A_4 = arith.constant 1 : index
    %get3A_5 = arith.constant 0 : index
    %get3A_6 = arith.constant 0 : index
    %get3A_7 = vector.load %arg1[%get3A_4, %get3A_5, %get3A_6] : memref<2x2000x128xf32, #tpu.memory_space<vmem>>, vector<1x2000x128xf32>
    %get3A_8 = vector.shape_cast %get3A_7 : vector<1x2000x128xf32> to vector<2000x128xf32>
    %add3A = arith.addf %get3A_3, %get3A_8 : vector<2000x128xf32>
    %get3A_9 = arith.constant 0 : index
    %get3A_10 = arith.constant 0 : index
    %get3A_11 = vector.load %arg2[%get3A_9, %get3A_10] : memref<128x128xf32, #tpu.memory_space<vmem>>, vector<128x128xf32>
    %dot_general3A = arith.constant dense<0.000000e+00> : vector<2000x128xf32>
    %dot_general3A_12 = tpu.matmul %add3A, %get3A_11, %dot_general3A {dimension_numbers = #tpu.dot_dimension_numbers<[1], [0], [0], [1], [0, 0, 1, 1], [], []>, transpose_lhs_hint = false} : vector<2000x128xf32>, vector<128x128xf32>, vector<2000x128xf32> -> vector<2000x128xf32>
    %get3A_13 = arith.constant 0 : index
    %get3A_14 = arith.constant 0 : index
    %get3A_15 = vector.load %arg3[%get3A_13, %get3A_14] : memref<1x128xf32, #tpu.memory_space<vmem>>, vector<1x128xf32>
    %add3A_16 = vector.broadcast %get3A_15 : vector<1x128xf32> to vector<2000x128xf32>
    %add3A_17 = arith.addf %dot_general3A_12, %add3A_16 : vector<2000x128xf32>
    %max3A = arith.constant 0.000000e+00 : f32
    %max3A_18 = vector.broadcast %max3A : f32 to vector<2000x128xf32>
    %max3A_19 = arith.maximumf %add3A_17, %max3A_18 : vector<2000x128xf32>
    %get3A_20 = arith.constant 0 : index
    %get3A_21 = arith.constant 0 : index
    %get3A_22 = vector.load %arg4[%get3A_20, %get3A_21] : memref<128x128xf32, #tpu.memory_space<vmem>>, vector<128x128xf32>
    %dot_general3A_23 = arith.constant dense<0.000000e+00> : vector<2000x128xf32>
    %dot_general3A_24 = tpu.matmul %max3A_19, %get3A_22, %dot_general3A_23 {dimension_numbers = #tpu.dot_dimension_numbers<[1], [0], [0], [1], [0, 0, 1, 1], [], []>, transpose_lhs_hint = false} : vector<2000x128xf32>, vector<128x128xf32>, vector<2000x128xf32> -> vector<2000x128xf32>
    %get3A_25 = arith.constant 0 : index
    %get3A_26 = arith.constant 0 : index
    %get3A_27 = vector.load %arg5[%get3A_25, %get3A_26] : memref<1x128xf32, #tpu.memory_space<vmem>>, vector<1x128xf32>
    %add3A_28 = vector.broadcast %get3A_27 : vector<1x128xf32> to vector<2000x128xf32>
    %add3A_29 = arith.addf %dot_general3A_24, %add3A_28 : vector<2000x128xf32>
    %swap3A = arith.constant 0 : index
    %swap3A_30 = arith.constant 0 : index
    %swap3A_31 = vector.load %arg6[%swap3A, %swap3A_30] : memref<2000x128xf32, #tpu.memory_space<vmem>>, vector<2000x128xf32>
    tpu.vector_store %arg6[%swap3A, %swap3A_30], %add3A_29 {strides = array<i32>} : memref<2000x128xf32, #tpu.memory_space<vmem>>, vector<2000x128xf32>,
    return
  }
  func.func @transform_0(%arg0: i32) -> (i32, i32, i32) {
    %c0_i32 = arith.constant 0 : i32
    %c0_i32_0 = arith.constant 0 : i32
    %c0_i32_1 = arith.constant 0 : i32
    return %c0_i32, %arg0, %c0_i32_0 : i32, i32, i32
  }
  func.func @transform_1(%arg0: i32) -> (i32, i32) {
    %c0_i32 = arith.constant 0 : i32
    %c0_i32_0 = arith.constant 0 : i32
    %c0_i32_1 = arith.constant 0 : i32
    return %c0_i32, %c0_i32_0 : i32, i32
  }
  func.func @transform_2(%arg0: i32) -> (i32, i32) {
    %c0_i32 = arith.constant 0 : i32
    %c0_i32_0 = arith.constant 0 : i32
    %c0_i32_1 = arith.constant 0 : i32
    return %c0_i32, %c0_i32_0 : i32, i32
  }
  func.func @transform_3(%arg0: i32) -> (i32, i32) {
    %c0_i32 = arith.constant 0 : i32
    %c0_i32_0 = arith.constant 0 : i32
    %c0_i32_1 = arith.constant 0 : i32
    return %c0_i32, %c0_i32_0 : i32, i32
  }
  func.func @transform_4(%arg0: i32) -> (i32, i32) {
    %c0_i32 = arith.constant 0 : i32
    %c0_i32_0 = arith.constant 0 : i32
    %c0_i32_1 = arith.constant 0 : i32
    return %c0_i32, %c0_i32_0 : i32, i32
  }
  func.func @transform_5(%arg0: i32) -> (i32, i32) {
    %c0_i32 = arith.constant 0 : i32
    %c0_i32_0 = arith.constant 0 : i32
    return %arg0, %c0_i32 : i32, i32
  }
}

</mosaic_0001>

<sc_bundles>
// kernel: kernel.11.cloned.1.call-start
scs
__scs_entry_jumppad:
0x0: {  	(pc) =	sbr.rel $0x88, $3  }
0x1: {  	(tag) =	ssettag $0x0;
	lr =	simm.s32 $0x1  }
0x2: {  	[smem:$0x3F93] =	sst lr;
	_ =	strace $0xD0000000  }
0x3: {  	_ = 	snop  }
0x4: {  	_ = 	snop  }
0x5: {  	_ = 	snop  }
0x6: {  	_ = 	snop  }
0x7: {  	_ = 	snop  }
__scs_overlays_trampoline_lowered:
0x8: {  	[smem:$0x3FA2] =	sst s0  }
0x9: {  	[smem:$0x3FA3] =	sst s1  }
0xa: {  	[smem:$0x3FA4] =	sst s2  }
0xb: {  	[smem:$0x3FA5] =	sst s3  }
0xc: {  	[smem:$0x3FA6] =	sst s4  }
0xd: {  	[smem:$0x3FA7] =	sst s5  }
0xe: {  	[smem:$0x3FA8] =	sst s6  }
0xf: {  	[smem:$0x3FA9] =	sst s7  }
0x10: {  	[smem:$0x3FAA] =	sst s8  }
0x11: {  	[smem:$0x3FAB] =	sst s9;
	s0 =	simm.s32 @!p0 $0x0  }
0x12: {  	s1 =	sld [smem:$0x3F91];
	s0 =	simm.s32 @p0 $0x1  }
0x13: {  	[smem:$0x3FAC] =	sst s0;
	s0 =	simm.s32 @!p1 $0x0  }
0x14: {  	s2 =	sld [smem:$0x3F90];
	s0 =	simm.s32 @p1 $0x1  }
0x15: {  	[smem:$0x3FAD] =	sst s0;
	s0 =	simm.s32 @!p2 $0x0  }
0x16: {  	s3 =	sld [smem:$0x3FDB];
	s0 =	simm.s32 @p2 $0x1  }
0x17: {  	s4 =	simm.s32 $0x1BF5;
	[smem:$0x3FAF] =	sst s0  }
0x18: {  	s0 =	sld [smem:$0x3F92];
	_ =	swait.ge [sflag:s4], $0x0  }
0x19: {  	s7 =	sld [smem:$0x3F93]  }
0x1a: {  	s8 =	sadd.s32 $0xFFFFE003, lr  }
0x1b: {  	s9 =	sadd.s32 $0xFFFFFEF7, lr;
	s5 =	simm.s32 $0xFFFFFFFF;
	p2 =	slt.u32 s8, $0xFFFFF086  }
0x1c: {  	p1 =	slt.u32 s9, $0xF7A;
	s5 =	simm.s32 @!p2 $0x0  }
0x1d: {  	s5 =	simm.s32 @p1 $0x1;
	p0 =	seq.s32 s7, s2  }
0x1e: {  	s7 =	smul.u32 @!p0 $0xF7A, s2;
	p2 =	seq.s32 @!p0 s5, $0x0  }
0x1f: {  	s9 =	smul.u32 $0xF7A, s1;
	s8 =	simm.s32 @!p0 $0x1BF5;
	p2 =	por !p2, p0  }
0x20: {  	[sflag:s8] =	ssyncset.s32 @!p0 $0xFFFFF086;
	s6 =	sadd.s32 @!p0 s3, s7;
	s7 =	simm.s32 @!p0 $0x108  }
0x21: {  	s3 =	sadd.s32 s3, s9;
	s6 =	sadd.s32 @!p0 $0x88, s6;
	s7 =	simm.s32 @p2 $0x1082  }
0x22: {  	[simem:s7], [sflag:s8] =	dma.local @!p0 [hbm:s6], $0xF7A  }
0x23: {  	s9 =	sor.u32 $0xD0000000, s2;
	s6 =	simm.s32 $0x108;
	_ =	swait.ge @!p0 [sflag:s8], $0x0  }
0x24: {  	s3 =	sadd.s32 $0x88, s3;
	s6 =	simm.s32 @!p1 $0x1082;
	[sflag:s4] =	ssyncset.s32 $0xFFFFF086  }
0x25: {  	[simem:s6], [sflag:s4] =	dma.local [hbm:s3], $0xF7A  }
0x26: {  	[smem:$0x3F93] =	sst s1;
	(tag) =	ssettag s2;
	_ =	strace s9  }
0x27: {  	s1 =	sld [smem:$0x3FA3]  }
0x28: {  	s2 =	sld [smem:$0x3FA4]  }
0x29: {  	s4 =	sld [smem:$0x3FA6]  }
0x2a: {  	p0 =	seq.s32 s5, $0x0;
	s5 =	sld [smem:$0x3FA7]  }
0x2b: {  	s6 =	sld [smem:$0x3FA8]  }
0x2c: {  	s7 =	sld [smem:$0x3FA9]  }
0x2d: {  	s3 =	simm.s32 $0x108;
	s8 =	sld [smem:$0x3FAA]  }
0x2e: {  	s3 =	simm.s32 @!p0 $0x1082;
	s9 =	sld [smem:$0x3FAB]  }
0x2f: {  	lr =	sadd.s32 s0, s3;
	s0 =	sld [smem:$0x3FA2]  }
0x30: {  	s3 =	sld [smem:$0x3FA5]  }
0x31: {  	[smem:$0x3FAE] =	sst s10  }
0x32: {  	s10 =	sld [smem:$0x3FAC];
	_ =	sdelay $0x3  }
0x33: {  	p0 =	seq.s32 s10, $0x1;
	s10 =	sld [smem:$0x3FAE];
	_ =	sdelay $0x3  }
0x34: {  	[smem:$0x3FAE] =	sst s10  }
0x35: {  	s10 =	sld [smem:$0x3FAD];
	_ =	sdelay $0x3  }
0x36: {  	p1 =	seq.s32 s10, $0x1;
	s10 =	sld [smem:$0x3FAE];
	_ =	sdelay $0x3  }
0x37: {  	[smem:$0x3FAE] =	sst s10  }
0x38: {  	s10 =	sld [smem:$0x3FAF]  }
0x39: {  	_ = 	snop;
	(pc) =	sbr.ind lr, $3  }
0x3a: {  	_ = 	snop  }
0x3b: {  	_ = 	snop  }
0x3c: {  	p2 =	seq.s32 s10, $0x1;
	s10 =	sld [smem:$0x3FAE]  }
0x3d: {  	_ =	shalt  }
0x3e: {  	_ =	shalt  }
0x3f: {  	_ =	shalt  }
0x40: {  	_ =	shalt  }
0x41: {  	_ =	shalt  }
0x42: {  	_ =	shalt  }
0x43: {  	_ =	shalt  }
0x44: {  	_ =	shalt  }
0x45: {  	_ =	shalt  }
0x46: {  	_ =	shalt  }
0x47: {  	_ =	shalt  }
0x48: {  	_ =	shalt  }
0x49: {  	_ =	shalt  }
0x4a: {  	_ =	shalt  }
0x4b: {  	_ =	shalt  }
0x4c: {  	_ =	shalt  }
0x4d: {  	_ =	shalt  }
0x4e: {  	_ =	shalt  }
0x4f: {  	_ =	shalt  }
0x50: {  	_ =	shalt  }
0x51: {  	_ =	shalt  }
0x52: {  	_ =	shalt  }
0x53: {  	_ =	shalt  }
0x54: {  	_ =	shalt  }
0x55: {  	_ =	shalt  }
0x56: {  	_ =	shalt  }
0x57: {  	_ =	shalt  }
0x58: {  	_ =	shalt  }
0x59: {  	_ =	shalt  }
0x5a: {  	_ =	shalt  }
0x5b: {  	_ =	shalt  }
0x5c: {  	_ =	shalt  }
0x5d: {  	_ =	shalt  }
0x5e: {  	_ =	shalt  }
0x5f: {  	_ =	shalt  }
0x60: {  	_ =	shalt  }
0x61: {  	_ =	shalt  }
0x62: {  	_ =	shalt  }
0x63: {  	_ =	shalt  }
0x64: {  	_ =	shalt  }
0x65: {  	_ =	shalt  }
0x66: {  	_ =	shalt  }
0x67: {  	_ =	shalt  }
0x68: {  	_ =	shalt  }
0x69: {  	_ =	shalt  }
0x6a: {  	_ =	shalt  }
0x6b: {  	_ =	shalt  }
0x6c: {  	_ =	shalt  }
0x6d: {  	_ =	shalt  }
0x6e: {  	_ =	shalt  }
0x6f: {  	_ =	shalt  }
0x70: {  	_ =	shalt  }
0x71: {  	_ =	shalt  }
0x72: {  	_ =	shalt  }
0x73: {  	_ =	shalt  }
0x74: {  	_ =	shalt  }
0x75: {  	_ =	shalt  }
0x76: {  	_ =	shalt  }
0x77: {  	_ =	shalt  }
0x78: {  	_ =	shalt  }
0x79: {  	_ =	shalt  }
0x7a: {  	_ =	shalt  }
0x7b: {  	_ =	shalt  }
0x7c: {  	_ =	shalt  }
0x7d: {  	_ =	shalt  }
0x7e: {  	_ =	shalt  }
0x7f: {  	_ =	shalt  }
0x80: {  	_ =	shalt  }
0x81: {  	_ =	shalt  }
0x82: {  	_ =	shalt  }
0x83: {  	_ =	shalt  }
0x84: {  	_ =	shalt  }
0x85: {  	_ =	shalt  }
0x86: {  	_ =	shalt  }
0x87: {  	_ =	shalt  }
.Lfunc_end0:
.L_simem_size_0:
called_computation.1_lowered:
.L_overlay_start_0:
0x88: {  	s2 =	sld [smem:$0x3FD9]  }
0x89: {  	s3 =	sld [smem:$0x3FFE];
	_ =	sdelay $0x1  }
0x8a: {  	s1 =	srdreg.scid  }
0x8b: {  	s0 =	sand.u32 $0x1, s1  }
0x8c: {  	s17 =	sshll.u32 s0, $0xA;
	s2 =	sadd.s32 s3, s2  }
0x8d: {  	s2 =	sadd.s32 s2, s17  }
0x8e: {  	[smem:$0x3FBA] =	sst s2  }
0x8f: {  	_ = 	snop  }
0x90: {  	s2 =	sld [smem:$0x3FD0];
	(tm) =	ssettm $0x1  }
0x91: {  	s18 =	sld [smem:$0x3FFB];
	_ =	sdelay $0x3  }
0x92: {  	_ =	strace s18  }
0x93: {  	s3 =	sld [smem:$0x3FFC];
	_ =	sdelay $0x3  }
0x94: {  	_ =	strace s3  }
0x95: {  	s3 =	sld [smem:$0x3FFD];
	_ =	sdelay $0x3  }
0x96: {  	_ =	strace s3  }
0x97: {  	_ =	strace $0x8FFFFFFF  }
0x98: {  	s19 =	sld [smem:$0x3FDB];
	_ =	sdelay $0x1  }
0x99: {  	s4 =	simm.s32 $_scs_section_size  }
0x9a: {  	s5 =	simm.s32 $_size__tile_overlayer_lowered;
	s6 =	simm.s32 $_tile_overlayer_lowered  }
0x9b: {  	s22 =	simm.s32 $0x1BFF;
	s21 =	sshll.u32 s6, $0x1;
	s3 =	sadd.s32 s4, s19  }
0x9c: {  	s7 =	simm.s32 $0x0;
	s20 =	sshll.u32 s5, $0x1;
	s5 =	sadd.s32 s21, s3  }
0x9d: {  	[timem:s7], [sflag:s22] =	dma.local [hbm:s5], s20  }
0x9e: {  	_ =	swait.ge [sflag:s22], s20  }
0x9f: {  	s4 =	ssub.s32 $0x0, s20;
	[sflag:s22] =	ssyncset.done $0x0  }
0xa0: {  	[sflag:s22] =	ssyncadd.s32 s4;
	_ =	sdelay $0x1  }
0xa1: {  	s23 =	simm.s32 $0x1B8B  }
0xa2: {  	_ =	swait.ge [sflag:s23], $0x1  }
0xa3: {  	[sflag:s23] =	ssyncset.done $0x0  }
0xa4: {  	s25 =	simm.s32 $0x1B8E;
	s24 =	sld [smem:$0x3FFE];
	[sflag:s23] =	ssyncadd.s32 $0xFFFFFFFF  }
0xa5: {  	s26 =	simm.s32 $execute0_lowered;
	[smem:$0x3FD2] =	sst s25  }
0xa6: {  	s5 =	sshll.u32 s26, $0x1;
	_ =	strace $0x80000049;
	[dreg:$0x1] =	wrdreg $0xFFFFFFFF  }
0xa7: {  	s28 =	simm.s32 $_size_execute0_lowered;
	s3 =	sadd.s32 s3, s5;
	[dreg:$0x0] =	wrdreg $0x0  }
0xa8: {  	s5 =	sshll.u32 s28, $0x1;
	[dreg:$0x2] =	wrdreg s3  }
0xa9: {  	[dreg:$0x3] =	wrdreg s5  }
0xaa: {  	[dreg:$0x4] =	wrdreg $0xC0  }
0xab: {  	_ =	task [dreg:s7], $0x5FFFF  }
0xac: {  	[dreg:$0x1] =	wrdreg $0xFFFFFFFF  }
0xad: {  	[dreg:$0x0] =	wrdreg $0x60  }
0xae: {  	[dreg:$0x2] =	wrdreg s2  }
0xaf: {  	[dreg:$0x3] =	wrdreg s24  }
0xb0: {  	[dreg:$0x4] =	wrdreg $0x0  }
0xb1: {  	[dreg:$0x5] =	wrdreg $0x9  }
0xb2: {  	_ =	task.clear_ibuf [dreg:s7], $0x6FFFF;
	_ =	strace $0x90000049  }
0xb3: {  	s29 =	simm.s32 $0x9;
	_ =	strace $0x8000004B  }
0xb4: {  	_ =	swait.ge [sflag:s29], $0x1  }
0xb5: {  	[sflag:s29] =	ssyncadd.s32 $0xFFFFFFFF  }
0xb6: {  	_ =	strace $0x9000004B  }
0xb7: {  	_ =	sfence  }
0xb8: {  	s30 =	sld [smem:$0x0];
	_ =	sdelay $0x2  }
0xb9: {  	s31 =	sshll.u32 s1, $0xD;
	s1 =	sshrl.u32 s1, $0x2  }
0xba: {  	s3 =	sand.u32 $0x4000, s31;
	s1 =	sadd.s32 s1, s30  }
0xbb: {  	s0 =	sor.u32 s3, s0;
	s1 =	sshll.u32 s1, $0x11  }
0xbc: {  	s0 =	sor.u32 s1, s0  }
0xbd: {  	s0 =	sadd.s32 $0x8F2B, s0  }
0xbe: {  	[sflag:s0] =	ssyncadd.remote.s32 $0x1  }
0xbf: {  	_ =	sfence.sel $0xFFFF  }
0xc0: {  	[dreg:$0x0] =	wrdreg $0xFFFFFFFF;
	(pc) =	sbr.abs _section_cstart, $3  }
0xc1: {  	[dreg:$0x1] =	wrdreg $0xFFFFFFFF  }
0xc2: {  	_ =	task.clear_ibuf [dreg:s7], $0x2FFFF;
	_ =	strace $0x9FFFFFFF  }
0xc3: {  	(tm) =	ssettm $0x7FFFFFFF  }
tec
execute0_lowered:
.L_overlay_start_1:
0x0: {  	(tag) =	ssettag $0x1  }
0x1: {  	s1 =	rddreg [dreg:$0x0]  }
0x2: {  	s0 =	rddreg [dreg:$0x1]  }
0x3: {  	s2 =	rddreg [dreg:$0x2]  }
0x4: {  	s3 =	srdreg.scid;
	s5 =	simm.s32 $0x0;
	s19 =	stileid.u32  }
0x5: {  	s28 =	simm.s32 $0x1A800;
	s29 =	simm.s32 $0x1;
	s30 =	simm.s32 $0x2  }
0x6: {  	s31 =	simm.s32 $0x15380;
	s3 =	sand.u32 $0x1, s3;
	s16 =	smul.u32 $0x14000, s19  }
0x7: {  	[smem:$0x7FF] =	sst s5;
	s6 =	sadd.s32 $0x2800, s0;
	s8 =	smul.u32 $0x2800, s19  }
0x8: {  	s15 =	sadd.s32 $0xC800, s0;
	p2 =	sne.s32 s19, $0xF;
	s10 =	smul.u32 $0x50000, s19  }
0x9: {  	p1 =	seq.s32 s19, $0xF;
	s21 =	sadd.s32 $0x25800, s1;
	s4 =	smul.u32 $0x140000, s3  }
0xa: {  	_ =	strace $0x8000004A;
	s17 =	ssub.s32 $0x2, s3;
	s18 =	sshll.u32 s3, $0x4  }
0xb: {  	p0 =	seq.s32 s3, $0x0;
	[dreg:$0x5] =	wrdreg s21;
	s9 =	sadd.s32 s8, s0  }
0xc: {  	s7 =	sshrl.u32 s17, $0x1;
	p3 =	por !p0, !p2;
	p1 =	por !p0, !p1  }
0xd: {  	s11 =	sor.u32 s19, s18;
	s20 =	sshrl.u32 s10, $0x2;
	s22 =	sadd.s32 s1, s8  }
0xe: {  	s4 =	sadd.s32 s16, s4;
	s5 =	ssub.s32 s17, s7;
	p0 =	por !p3, !p3  }
0xf: {  	p6 =	por !p1, !p1;
	s16 =	sadd.s32 $0x138800, s2;
	s17 =	sadd.s32 $0x12C000, s2  }
0x10: {  	s7 =	sadd.s32 s20, s2;
	[dreg:$0x6] =	wrdreg s22;
	p1 =	seq.s32 s3, $0x1  }
0x11: {  	s23 =	smul.u32 $0x500, s11;
	s24 =	sadd.s32 $0x16800, s9;
	s22 =	simm.s32 $0x14000  }
0x12: {  	s3 =	simm.s32 $0x16780;
	s4 =	sshrl.u32 s4, $0x3;
	[dreg:$0x7] =	wrdreg s24  }
0x13: {  	p2 =	por p2, p1;
	s11 =	smax.u32 s5, $0x1;
	p3 =	por !p6, p0  }
0x14: {  	s21 =	sshrl.u32 @p1 s7, $0x3;
	s24 =	simm.s32 $0x15400;
	s4 =	sadd.s32 s4, s0  }
0x15: {  	s0 =	sadd.s32 $0x3D900, s0;
	s12 =	sadd.s32 s6, s23;
	s26 =	sadd.s32 $0x280, s23  }
0x16: {  	s13 =	sadd.s32 s15, s23;
	s16 =	sshrl.u32 @!p3 s16, $0x3;
	s17 =	sshrl.u32 @!p3 s17, $0x3  }
0x17: {  	s23 =	simm.s32 $0x3;
	[dreg:$0x4] =	wrdreg s0;
	s25 =	sadd.s32 $0x3E800, s4  }
0x18: {  	s14 =	sadd.s32 s6, s26;
	s15 =	sadd.s32 s15, s26;
	s0 =	sshll.u32 @p0 s19, $0x6  }
0x19: {  	s26 =	simm.s32 $0x16800;
	s4 =	simm.s32 $0x0;
	[dreg:$0x8] =	wrdreg s25  }
0x1a: {  	s18 =	sor.u32 @p0 $0x1C02, s0;
	s0 =	sshll.u32 @p1 s19, $0x6;
	s19 =	sshrl.u32 @p0 s7, $0x3  }
0x1b: {  	s25 =	simm.s32 $0x80;
	s20 =	sor.u32 @p1 $0x1C02, s0;
	s0 =	simm.s32 $0x16700  }
.LBB2_1:
0x1c: {  	s5 =	simm.s32 @!p3 $0x1FC3;
	s6 =	rddreg [dreg:$0x4]  }
0x1d: {  	[spmem:s16], [sflag:s5] =	dma.local @!p3 [hbm:s6], $0xF00  }
0x1e: {  	s5 =	simm.s32 @!p3 $0x3  }
0x1f: {  	_ =	swait.ge @!p3 [sflag:s5], $0xF00  }
0x20: {  	[sflag:s5] =	ssyncset.done @!p3 $0x0  }
0x21: {  	s6 =	rddreg [dreg:$0x5];
	[sflag:s5] =	ssyncadd.s32 @!p3 $0xFFFFF100;
	s5 =	simm.s32 @!p3 $0x1FC2  }
0x22: {  	[spmem:s17], [sflag:s5] =	dma.local @!p3 [hbm:s6], $0x1900  }
0x23: {  	s5 =	rddreg [dreg:$0x6]  }
0x24: {  	[spmem:s19], [sflag:s18] =	dma.local @p0 [hbm:s5], $0x2800  }
0x25: {  	s10 =	simm.s32 $0x0;
	s5 =	rddreg [dreg:$0x7]  }
0x26: {  	[spmem:s21], [sflag:s20] =	dma.local @p1 [hbm:s5], $0x2800  }
0x27: {  	[tilespmem:s22], [sflag:$0x3] =	stream.linear.gather [hbm4b:s12+s10], $0x1400, $0x38;
	[tilespmem:$0x1E800] =	vst v63  }
0x28: {  	_ =	swait.ge [sflag:s23], $0x1400  }
0x29: {  	[sflag:s23] =	ssyncset.done $0x0  }
0x2a: {  	[sflag:s23] =	ssyncadd.s32 $0xFFFFEC00  }
0x2b: {  	[tilespmem:s24], [sflag:$0x3] =	stream.linear.gather [hbm4b:s13+s10], $0x1400, $0x38;
	[tilespmem:$0x1E800] =	vst v63  }
0x2c: {  	_ =	swait.ge [sflag:s23], $0x1400  }
0x2d: {  	p4 =	por @!p0 $0x0, $0x0;
	[sflag:s23] =	ssyncset.done $0x0  }
0x2e: {  	p5 =	por @!p3 $0x1, $0x1;
	s5 =	simm.s32 @p2 $0x2;
	[sflag:s23] =	ssyncadd.s32 $0xFFFFEC00  }
0x2f: {  	[tilespmem:s26], [sflag:$0x1] =	stream.indirect.gather [hbm4b:s1+s25], $0x80, s22, s25, $0xb8;
	[tilespmem:$0x1E800] =	vst v63  }
0x30: {  	p4 =	por @!p3 p5, p5;
	p5 =	por @p0 $0x0, $0x0;
	_ =	swait.ge @p2 [sflag:s5], $0x2800  }
0x31: {  	p5 =	por @!p0 p4, p4;
	[sflag:s5] =	ssyncset.done @p2 $0x0  }
0x32: {  	[sflag:s5] =	ssyncadd.s32 @p2 $0xFFFFD800;
	s5 =	simm.s32 @p5 $0x2  }
0x33: {  	_ =	swait.ge @p5 [sflag:s5], $0x1900  }
0x34: {  	[sflag:s5] =	ssyncset.done @p5 $0x0  }
0x35: {  	[sflag:s5] =	ssyncadd.s32 @p5 $0xFFFFE700  }
0x36: {  	s6 =	simm.s32 $0x14080;
	[bflag:$0x0] =	sbarrier.arrive $0xFFFF  }
0x37: {  	[tilespmem:s28], [sflag:$0x2] =	stream.indirect.gather [hbm4b:s1+s25], $0x80, s6, s25, $0xb8;
	[tilespmem:$0x1E800] =	vst v63  }
0x38: {  	_ =	swait.ge [sflag:s29], $0x4000  }
0x39: {  	[sflag:s29] =	ssyncset.done $0x0  }
0x3a: {  	s8 =	simm.s32 $0x15400;
	[sflag:s29] =	ssyncadd.s32 $0xFFFFC000  }
0x3b: {  	[spmem:s2] =	stream.indirect.scatter.add.f32 [tilespmem:s26], [sflag:$0x3], $0x80, s8, s25, $0xb8;
	[tilespmem:$0x1E800] =	vst v63  }
0x3c: {  	_ =	swait.ge [sflag:s23], $0x4000  }
0x3d: {  	[sflag:s23] =	ssyncset.done $0x0  }
0x3e: {  	s9 =	simm.s32 $0x14100;
	[sflag:s23] =	ssyncadd.s32 $0xFFFFC000  }
0x3f: {  	[tilespmem:s26], [sflag:$0x1] =	stream.indirect.gather [hbm4b:s1+s25], $0x80, s9, s25, $0xb8;
	[tilespmem:$0x1E800] =	vst v63  }
0x40: {  	_ =	swait.ge [sflag:s30], $0x4000  }
0x41: {  	[sflag:s30] =	ssyncset.done $0x0  }
0x42: {  	s10 =	simm.s32 $0x15480;
	[sflag:s30] =	ssyncadd.s32 $0xFFFFC000  }
0x43: {  	[spmem:s2] =	stream.indirect.scatter.add.f32 [tilespmem:s28], [sflag:$0x3], $0x80, s10, s25, $0xb8;
	[tilespmem:$0x1E800] =	vst v63  }
0x44: {  	_ =	swait.ge [sflag:s23], $0x4000  }
0x45: {  	s5 =	simm.s32 $0x100;
	s6 =	simm.s32 $0x800;
	[sflag:s23] =	ssyncset.done $0x0  }
.LBB2_2:
0x46: {  	s8 =	sadd.s32 $0x14080, s5  }
0x47: {  	[sflag:s23] =	ssyncadd.s32 $0xFFFFC000;
	s9 =	smov.u32 s6;
	s10 =	sadd.s32 $0x400, s6  }
0x48: {  	[tilespmem:s28], [sflag:$0x2] =	stream.indirect.gather [hbm4b:s1+s25], $0x80, s8, s25, $0xb8;
	[tilespmem:$0x1E800] =	vst v63  }
0x49: {  	p4 =	sne.s32 s6, $0x4800;
	_ =	swait.ge [sflag:s29], $0x4000  }
0x4a: {  	[sflag:s29] =	ssyncset.done $0x0  }
0x4b: {  	s6 =	sadd.s32 $0x15400, s5;
	[sflag:s29] =	ssyncadd.s32 $0xFFFFC000  }
0x4c: {  	[spmem:s2] =	stream.indirect.scatter.add.f32 [tilespmem:s26], [sflag:$0x3], $0x80, s6, s25, $0xb8;
	[tilespmem:$0x1E800] =	vst v63  }
0x4d: {  	_ =	swait.ge [sflag:s23], $0x4000  }
0x4e: {  	[sflag:s23] =	ssyncset.done $0x0  }
0x4f: {  	s6 =	sadd.s32 $0x14100, s5;
	[sflag:s23] =	ssyncadd.s32 $0xFFFFC000  }
0x50: {  	[tilespmem:s26], [sflag:$0x1] =	stream.indirect.gather [hbm4b:s1+s25], $0x80, s6, s25, $0xb8;
	[tilespmem:$0x1E800] =	vst v63  }
0x51: {  	_ =	swait.ge [sflag:s30], $0x4000  }
.Ltmp0:
0x52: {  	[sflag:s30] =	ssyncset.done $0x0;
	(pc) =	sbr.rel @p4 .LBB2_2-.Ltmp0, $4  }
0x53: {  	s5 =	sadd.s32 $0x15480, s5;
	[sflag:s30] =	ssyncadd.s32 $0xFFFFC000  }
0x54: {  	[spmem:s2] =	stream.indirect.scatter.add.f32 [tilespmem:s28], [sflag:$0x3], $0x80, s5, s25, $0xb8;
	[tilespmem:$0x1E800] =	vst v63  }
0x55: {  	_ =	swait.ge [sflag:s23], $0x4000  }
0x56: {  	s6 =	smov.u32 s10;
	s5 =	sshra.s32 s9, $0x2;
	[sflag:s23] =	ssyncset.done $0x0  }
0x57: {  	s6 =	sadd.s32 $0x14080, s5;
	[sflag:s23] =	ssyncadd.s32 $0xFFFFC000  }
0x58: {  	[tilespmem:s28], [sflag:$0x2] =	stream.indirect.gather [hbm4b:s1+s25], $0x80, s6, s25, $0xb8;
	[tilespmem:$0x1E800] =	vst v63  }
0x59: {  	_ =	swait.ge [sflag:s29], $0x4000  }
0x5a: {  	[sflag:s29] =	ssyncset.done $0x0  }
0x5b: {  	s10 =	sadd.s32 $0x15400, s5;
	[sflag:s29] =	ssyncadd.s32 $0xFFFFC000  }
0x5c: {  	[spmem:s2] =	stream.indirect.scatter.add.f32 [tilespmem:s26], [sflag:$0x3], $0x80, s10, s25, $0xb8;
	[tilespmem:$0x1E800] =	vst v63  }
0x5d: {  	_ =	swait.ge [sflag:s23], $0x4000  }
0x5e: {  	[sflag:s23] =	ssyncset.done $0x0  }
0x5f: {  	s8 =	sadd.s32 $0x14100, s5;
	[sflag:s23] =	ssyncadd.s32 $0xFFFFC000  }
0x60: {  	[tilespmem:s26], [sflag:$0x1] =	stream.indirect.gather [hbm4b:s1+s25], $0x80, s8, s25, $0xb8;
	[tilespmem:$0x1E800] =	vst v63  }
0x61: {  	_ =	swait.ge [sflag:s30], $0x4000  }
0x62: {  	[sflag:s30] =	ssyncset.done $0x0  }
0x63: {  	s9 =	sadd.s32 $0x15480, s5;
	[sflag:s30] =	ssyncadd.s32 $0xFFFFC000  }
0x64: {  	[spmem:s2] =	stream.indirect.scatter.add.f32 [tilespmem:s28], [sflag:$0x3], $0x80, s9, s25, $0xb8;
	[tilespmem:$0x1E800] =	vst v63  }
0x65: {  	_ =	swait.ge [sflag:s23], $0x4000  }
0x66: {  	[sflag:s23] =	ssyncset.done $0x0  }
0x67: {  	[sflag:s23] =	ssyncadd.s32 $0xFFFFC000  }
0x68: {  	[tilespmem:s28], [sflag:$0x2] =	stream.indirect.gather [hbm4b:s1+s25], $0x80, s31, s25, $0xb8;
	[tilespmem:$0x1E800] =	vst v63  }
0x69: {  	_ =	swait.ge [sflag:s29], $0x4000  }
0x6a: {  	[sflag:s29] =	ssyncset.done $0x0  }
0x6b: {  	[sflag:s29] =	ssyncadd.s32 $0xFFFFC000  }
0x6c: {  	[spmem:s2] =	stream.indirect.scatter.add.f32 [tilespmem:s26], [sflag:$0x3], $0x80, s0, s25, $0xb8;
	[tilespmem:$0x1E800] =	vst v63  }
0x6d: {  	_ =	swait.ge [sflag:s23], $0x4000  }
0x6e: {  	[sflag:s23] =	ssyncset.done $0x0  }
0x6f: {  	[sflag:s23] =	ssyncadd.s32 $0xFFFFC000  }
0x70: {  	_ =	swait.ge [sflag:s30], $0x4000  }
0x71: {  	[sflag:s30] =	ssyncset.done $0x0  }
0x72: {  	[sflag:s30] =	ssyncadd.s32 $0xFFFFC000  }
0x73: {  	[spmem:s2] =	stream.indirect.scatter.add.f32 [tilespmem:s28], [sflag:$0x3], $0x80, s3, s25, $0xb8;
	[tilespmem:$0x1E800] =	vst v63  }
0x74: {  	_ =	swait.ge [sflag:s23], $0x4000  }
0x75: {  	[sflag:s23] =	ssyncset.done $0x0  }
0x76: {  	s10 =	simm.s32 $0x0;
	[sflag:s23] =	ssyncadd.s32 $0xFFFFC000  }
0x77: {  	[tilespmem:s22], [sflag:$0x3] =	stream.linear.gather [hbm4b:s14+s10], $0x1400, $0x38;
	[tilespmem:$0x1E800] =	vst v63  }
0x78: {  	_ =	swait.ge [sflag:s23], $0x1400  }
0x79: {  	[sflag:s23] =	ssyncset.done $0x0  }
0x7a: {  	[sflag:s23] =	ssyncadd.s32 $0xFFFFEC00  }
0x7b: {  	[tilespmem:s24], [sflag:$0x3] =	stream.linear.gather [hbm4b:s15+s10], $0x1400, $0x38;
	[tilespmem:$0x1E800] =	vst v63  }
0x7c: {  	_ =	swait.ge [sflag:s23], $0x1400  }
0x7d: {  	[sflag:s23] =	ssyncset.done $0x0  }
0x7e: {  	[sflag:s23] =	ssyncadd.s32 $0xFFFFEC00  }
0x7f: {  	[tilespmem:s26], [sflag:$0x1] =	stream.indirect.gather [hbm4b:s1+s25], $0x80, s22, s25, $0xb8;
	[tilespmem:$0x1E800] =	vst v63  }
0x80: {  	s6 =	simm.s32 $0x14080  }
0x81: {  	[tilespmem:s28], [sflag:$0x2] =	stream.indirect.gather [hbm4b:s1+s25], $0x80, s6, s25, $0xb8;
	[tilespmem:$0x1E800] =	vst v63  }
0x82: {  	_ =	swait.ge [sflag:s29], $0x4000  }
0x83: {  	[sflag:s29] =	ssyncset.done $0x0  }
0x84: {  	s8 =	simm.s32 $0x15400;
	[sflag:s29] =	ssyncadd.s32 $0xFFFFC000  }
0x85: {  	[spmem:s2] =	stream.indirect.scatter.add.f32 [tilespmem:s26], [sflag:$0x3], $0x80, s8, s25, $0xb8;
	[tilespmem:$0x1E800] =	vst v63  }
0x86: {  	_ =	swait.ge [sflag:s23], $0x4000  }
0x87: {  	[sflag:s23] =	ssyncset.done $0x0  }
0x88: {  	s9 =	simm.s32 $0x14100;
	[sflag:s23] =	ssyncadd.s32 $0xFFFFC000  }
0x89: {  	[tilespmem:s26], [sflag:$0x1] =	stream.indirect.gather [hbm4b:s1+s25], $0x80, s9, s25, $0xb8;
	[tilespmem:$0x1E800] =	vst v63  }
0x8a: {  	_ =	swait.ge [sflag:s30], $0x4000  }
0x8b: {  	[sflag:s30] =	ssyncset.done $0x0  }
0x8c: {  	s10 =	simm.s32 $0x15480;
	[sflag:s30] =	ssyncadd.s32 $0xFFFFC000  }
0x8d: {  	[spmem:s2] =	stream.indirect.scatter.add.f32 [tilespmem:s28], [sflag:$0x3], $0x80, s10, s25, $0xb8;
	[tilespmem:$0x1E800] =	vst v63  }
0x8e: {  	_ =	swait.ge [sflag:s23], $0x4000  }
0x8f: {  	s5 =	simm.s32 $0x100;
	s6 =	simm.s32 $0x800;
	[sflag:s23] =	ssyncset.done $0x0  }
.LBB2_4:
0x90: {  	s8 =	sadd.s32 $0x14080, s5  }
0x91: {  	[sflag:s23] =	ssyncadd.s32 $0xFFFFC000;
	s9 =	smov.u32 s6;
	s10 =	sadd.s32 $0x400, s6  }
0x92: {  	[tilespmem:s28], [sflag:$0x2] =	stream.indirect.gather [hbm4b:s1+s25], $0x80, s8, s25, $0xb8;
	[tilespmem:$0x1E800] =	vst v63  }
0x93: {  	p4 =	sne.s32 s6, $0x4800;
	_ =	swait.ge [sflag:s29], $0x4000  }
0x94: {  	[sflag:s29] =	ssyncset.done $0x0  }
0x95: {  	s6 =	sadd.s32 $0x15400, s5;
	[sflag:s29] =	ssyncadd.s32 $0xFFFFC000  }
0x96: {  	[spmem:s2] =	stream.indirect.scatter.add.f32 [tilespmem:s26], [sflag:$0x3], $0x80, s6, s25, $0xb8;
	[tilespmem:$0x1E800] =	vst v63  }
0x97: {  	_ =	swait.ge [sflag:s23], $0x4000  }
0x98: {  	[sflag:s23] =	ssyncset.done $0x0  }
0x99: {  	s6 =	sadd.s32 $0x14100, s5;
	[sflag:s23] =	ssyncadd.s32 $0xFFFFC000  }
0x9a: {  	[tilespmem:s26], [sflag:$0x1] =	stream.indirect.gather [hbm4b:s1+s25], $0x80, s6, s25, $0xb8;
	[tilespmem:$0x1E800] =	vst v63  }
0x9b: {  	_ =	swait.ge [sflag:s30], $0x4000  }
.Ltmp1:
0x9c: {  	[sflag:s30] =	ssyncset.done $0x0;
	(pc) =	sbr.rel @p4 .LBB2_4-.Ltmp1, $4  }
0x9d: {  	s5 =	sadd.s32 $0x15480, s5;
	[sflag:s30] =	ssyncadd.s32 $0xFFFFC000  }
0x9e: {  	[spmem:s2] =	stream.indirect.scatter.add.f32 [tilespmem:s28], [sflag:$0x3], $0x80, s5, s25, $0xb8;
	[tilespmem:$0x1E800] =	vst v63  }
0x9f: {  	_ =	swait.ge [sflag:s23], $0x4000  }
0xa0: {  	s6 =	smov.u32 s10;
	s5 =	sshra.s32 s9, $0x2;
	[sflag:s23] =	ssyncset.done $0x0  }
0xa1: {  	s6 =	sadd.s32 $0x14080, s5;
	[sflag:s23] =	ssyncadd.s32 $0xFFFFC000  }
0xa2: {  	[tilespmem:s28], [sflag:$0x2] =	stream.indirect.gather [hbm4b:s1+s25], $0x80, s6, s25, $0xb8;
	[tilespmem:$0x1E800] =	vst v63  }
0xa3: {  	_ =	swait.ge [sflag:s29], $0x4000  }
0xa4: {  	[sflag:s29] =	ssyncset.done $0x0  }
0xa5: {  	s9 =	sadd.s32 $0x15400, s5;
	[sflag:s29] =	ssyncadd.s32 $0xFFFFC000  }
0xa6: {  	[spmem:s2] =	stream.indirect.scatter.add.f32 [tilespmem:s26], [sflag:$0x3], $0x80, s9, s25, $0xb8;
	[tilespmem:$0x1E800] =	vst v63  }
0xa7: {  	_ =	swait.ge [sflag:s23], $0x4000  }
0xa8: {  	[sflag:s23] =	ssyncset.done $0x0  }
0xa9: {  	s10 =	sadd.s32 $0x14100, s5;
	[sflag:s23] =	ssyncadd.s32 $0xFFFFC000  }
0xaa: {  	[tilespmem:s26], [sflag:$0x1] =	stream.indirect.gather [hbm4b:s1+s25], $0x80, s10, s25, $0xb8;
	[tilespmem:$0x1E800] =	vst v63  }
0xab: {  	_ =	swait.ge [sflag:s30], $0x4000  }
0xac: {  	[sflag:s30] =	ssyncset.done $0x0  }
0xad: {  	s8 =	sadd.s32 $0x15480, s5;
	[sflag:s30] =	ssyncadd.s32 $0xFFFFC000  }
0xae: {  	[spmem:s2] =	stream.indirect.scatter.add.f32 [tilespmem:s28], [sflag:$0x3], $0x80, s8, s25, $0xb8;
	[tilespmem:$0x1E800] =	vst v63  }
0xaf: {  	_ =	swait.ge [sflag:s23], $0x4000  }
0xb0: {  	[sflag:s23] =	ssyncset.done $0x0  }
0xb1: {  	[sflag:s23] =	ssyncadd.s32 $0xFFFFC000  }
0xb2: {  	[tilespmem:s28], [sflag:$0x2] =	stream.indirect.gather [hbm4b:s1+s25], $0x80, s31, s25, $0xb8;
	[tilespmem:$0x1E800] =	vst v63  }
0xb3: {  	_ =	swait.ge [sflag:s29], $0x4000  }
0xb4: {  	[sflag:s29] =	ssyncset.done $0x0  }
0xb5: {  	[sflag:s29] =	ssyncadd.s32 $0xFFFFC000  }
0xb6: {  	[spmem:s2] =	stream.indirect.scatter.add.f32 [tilespmem:s26], [sflag:$0x3], $0x80, s0, s25, $0xb8;
	[tilespmem:$0x1E800] =	vst v63  }
0xb7: {  	_ =	swait.ge [sflag:s23], $0x4000  }
0xb8: {  	[sflag:s23] =	ssyncset.done $0x0  }
0xb9: {  	[sflag:s23] =	ssyncadd.s32 $0xFFFFC000  }
0xba: {  	_ =	swait.ge [sflag:s30], $0x4000  }
0xbb: {  	[sflag:s30] =	ssyncset.done $0x0  }
0xbc: {  	[sflag:s30] =	ssyncadd.s32 $0xFFFFC000  }
0xbd: {  	[spmem:s2] =	stream.indirect.scatter.add.f32 [tilespmem:s28], [sflag:$0x3], $0x80, s3, s25, $0xb8;
	[tilespmem:$0x1E800] =	vst v63  }
0xbe: {  	_ =	swait.ge [sflag:s23], $0x4000  }
0xbf: {  	s9 =	stileid.u32;
	[sflag:s23] =	ssyncset.done $0x0  }
0xc0: {  	s4 =	sadd.s32 $0x1, s4;
	s5 =	sshll.u32 s9, $0x6;
	[sflag:s23] =	ssyncadd.s32 $0xFFFFC000  }
0xc1: {  	p4 =	sne.s32 s4, s11;
	s5 =	sor.u32 $0x1C03, s5;
	[bflag:$0x0] =	sbarrier.arrive $0xFFFF  }
.Ltmp2:
0xc2: {  	s10 =	sshrl.u32 s7, $0x3;
	s8 =	rddreg [dreg:$0x8];
	(pc) =	sbr.rel @p4 .LBB2_1-.Ltmp2, $4  }
0xc3: {  	[hbm:s8], [sflag:s5] =	dma.local [spmem:s10], $0x2800  }
0xc4: {  	_ =	swait.ge [sflag:s23], $0x2800  }
0xc5: {  	[sflag:s23] =	ssyncset.done $0x0  }
0xc6: {  	[sflag:s23] =	ssyncadd.s32 $0xFFFFD800  }
0xc7: {  	_ =	sfence.sel $0x180000  }
0xc8: {  	[bflag:$0x0] =	sbarrier.arrive $0xFFFF  }
0xc9: {  	_ =	strace $0x9000004A  }
0xca: {  	s0 =	stileid.u32;
	[bflag:$0x2] =	sbarrier.arrive $0xFFFF  }
0xcb: {  	p0 =	sne.s32 s0, $0x0;
	s0 =	rddreg [dreg:$0x3]  }
0xcc: {  	s0 =	sadd.s32 @!p0 $0x100000, s0  }
0xcd: {  	[sflag:s0] =	ssyncadd.tile.s32 @!p0 $0x1;
	_ =	shalt  }
.Lfunc_end2:
_tile_overlayer_lowered:
.L_overlay_start_2:
0xce: {  	(tag) =	ssettag $0x2  }
0xcf: {  	s0 =	rddreg [dreg:$0x0];
	s2 =	stileid.u32  }
0xd0: {  	s1 =	rddreg [dreg:$0x1];
	p0 =	sne.s32 s2, $0x0  }
0xd1: {  	s3 =	rddreg [dreg:$0x2];
	[bflag:$0x3] =	sbarrier.arrive $0xFFFF;
	s2 =	simm.s32 @!p0 $0x1C03  }
0xd2: {  	[timem:s3], [sflag:s2] =	dma.local @!p0 [hbm:s0], s1  }
0xd3: {  	s0 =	simm.s32 @!p0 $0x3  }
0xd4: {  	_ =	swait.ge @!p0 [sflag:s0], s1  }
0xd5: {  	s1 =	ssub.s32 @!p0 $0x0, s1;
	[sflag:s0] =	ssyncset.done @!p0 $0x0  }
0xd6: {  	[sflag:s0] =	ssyncadd.s32 @!p0 s1  }
0xd7: {  	[bflag:$0x3] =	sbarrier.arrive $0xFFFF  }
0xd8: {  	_ =	shalt  }

// kernel: kernel.14.cloned.1.call-start
scs
__scs_entry_jumppad:
0x0: {  	(pc) =	sbr.rel $0x88, $3  }
0x1: {  	(tag) =	ssettag $0x0;
	lr =	simm.s32 $0x1  }
0x2: {  	[smem:$0x3F93] =	sst lr;
	_ =	strace $0xD0000000  }
0x3: {  	_ = 	snop  }
0x4: {  	_ = 	snop  }
0x5: {  	_ = 	snop  }
0x6: {  	_ = 	snop  }
0x7: {  	_ = 	snop  }
__scs_overlays_trampoline_lowered:
0x8: {  	[smem:$0x3FA2] =	sst s0  }
0x9: {  	[smem:$0x3FA3] =	sst s1  }
0xa: {  	[smem:$0x3FA4] =	sst s2  }
0xb: {  	[smem:$0x3FA5] =	sst s3  }
0xc: {  	[smem:$0x3FA6] =	sst s4  }
0xd: {  	[smem:$0x3FA7] =	sst s5  }
0xe: {  	[smem:$0x3FA8] =	sst s6  }
0xf: {  	[smem:$0x3FA9] =	sst s7  }
0x10: {  	[smem:$0x3FAA] =	sst s8  }
0x11: {  	[smem:$0x3FAB] =	sst s9;
	s0 =	simm.s32 @!p0 $0x0  }
0x12: {  	s1 =	sld [smem:$0x3F91];
	s0 =	simm.s32 @p0 $0x1  }
0x13: {  	[smem:$0x3FAC] =	sst s0;
	s0 =	simm.s32 @!p1 $0x0  }
0x14: {  	s2 =	sld [smem:$0x3F90];
	s0 =	simm.s32 @p1 $0x1  }
0x15: {  	[smem:$0x3FAD] =	sst s0;
	s0 =	simm.s32 @!p2 $0x0  }
0x16: {  	s3 =	sld [smem:$0x3FDB];
	s0 =	simm.s32 @p2 $0x1  }
0x17: {  	s4 =	simm.s32 $0x1BF5;
	[smem:$0x3FAF] =	sst s0  }
0x18: {  	s0 =	sld [smem:$0x3F92];
	_ =	swait.ge [sflag:s4], $0x0  }
0x19: {  	s7 =	sld [smem:$0x3F93]  }
0x1a: {  	s8 =	sadd.s32 $0xFFFFE003, lr  }
0x1b: {  	s9 =	sadd.s32 $0xFFFFFEF7, lr;
	s5 =	simm.s32 $0xFFFFFFFF;
	p2 =	slt.u32 s8, $0xFFFFF086  }
0x1c: {  	p1 =	slt.u32 s9, $0xF7A;
	s5 =	simm.s32 @!p2 $0x0  }
0x1d: {  	s5 =	simm.s32 @p1 $0x1;
	p0 =	seq.s32 s7, s2  }
0x1e: {  	s7 =	smul.u32 @!p0 $0xF7A, s2;
	p2 =	seq.s32 @!p0 s5, $0x0  }
0x1f: {  	s9 =	smul.u32 $0xF7A, s1;
	s8 =	simm.s32 @!p0 $0x1BF5;
	p2 =	por !p2, p0  }
0x20: {  	[sflag:s8] =	ssyncset.s32 @!p0 $0xFFFFF086;
	s6 =	sadd.s32 @!p0 s3, s7;
	s7 =	simm.s32 @!p0 $0x108  }
0x21: {  	s3 =	sadd.s32 s3, s9;
	s6 =	sadd.s32 @!p0 $0x88, s6;
	s7 =	simm.s32 @p2 $0x1082  }
0x22: {  	[simem:s7], [sflag:s8] =	dma.local @!p0 [hbm:s6], $0xF7A  }
0x23: {  	s9 =	sor.u32 $0xD0000000, s2;
	s6 =	simm.s32 $0x108;
	_ =	swait.ge @!p0 [sflag:s8], $0x0  }
0x24: {  	s3 =	sadd.s32 $0x88, s3;
	s6 =	simm.s32 @!p1 $0x1082;
	[sflag:s4] =	ssyncset.s32 $0xFFFFF086  }
0x25: {  	[simem:s6], [sflag:s4] =	dma.local [hbm:s3], $0xF7A  }
0x26: {  	[smem:$0x3F93] =	sst s1;
	(tag) =	ssettag s2;
	_ =	strace s9  }
0x27: {  	s1 =	sld [smem:$0x3FA3]  }
0x28: {  	s2 =	sld [smem:$0x3FA4]  }
0x29: {  	s4 =	sld [smem:$0x3FA6]  }
0x2a: {  	p0 =	seq.s32 s5, $0x0;
	s5 =	sld [smem:$0x3FA7]  }
0x2b: {  	s6 =	sld [smem:$0x3FA8]  }
0x2c: {  	s7 =	sld [smem:$0x3FA9]  }
0x2d: {  	s3 =	simm.s32 $0x108;
	s8 =	sld [smem:$0x3FAA]  }
0x2e: {  	s3 =	simm.s32 @!p0 $0x1082;
	s9 =	sld [smem:$0x3FAB]  }
0x2f: {  	lr =	sadd.s32 s0, s3;
	s0 =	sld [smem:$0x3FA2]  }
0x30: {  	s3 =	sld [smem:$0x3FA5]  }
0x31: {  	[smem:$0x3FAE] =	sst s10  }
0x32: {  	s10 =	sld [smem:$0x3FAC];
	_ =	sdelay $0x3  }
0x33: {  	p0 =	seq.s32 s10, $0x1;
	s10 =	sld [smem:$0x3FAE];
	_ =	sdelay $0x3  }
0x34: {  	[smem:$0x3FAE] =	sst s10  }
0x35: {  	s10 =	sld [smem:$0x3FAD];
	_ =	sdelay $0x3  }
0x36: {  	p1 =	seq.s32 s10, $0x1;
	s10 =	sld [smem:$0x3FAE];
	_ =	sdelay $0x3  }
0x37: {  	[smem:$0x3FAE] =	sst s10  }
0x38: {  	s10 =	sld [smem:$0x3FAF]  }
0x39: {  	_ = 	snop;
	(pc) =	sbr.ind lr, $3  }
0x3a: {  	_ = 	snop  }
0x3b: {  	_ = 	snop  }
0x3c: {  	p2 =	seq.s32 s10, $0x1;
	s10 =	sld [smem:$0x3FAE]  }
0x3d: {  	_ =	shalt  }
0x3e: {  	_ =	shalt  }
0x3f: {  	_ =	shalt  }
0x40: {  	_ =	shalt  }
0x41: {  	_ =	shalt  }
0x42: {  	_ =	shalt  }
0x43: {  	_ =	shalt  }
0x44: {  	_ =	shalt  }
0x45: {  	_ =	shalt  }
0x46: {  	_ =	shalt  }
0x47: {  	_ =	shalt  }
0x48: {  	_ =	shalt  }
0x49: {  	_ =	shalt  }
0x4a: {  	_ =	shalt  }
0x4b: {  	_ =	shalt  }
0x4c: {  	_ =	shalt  }
0x4d: {  	_ =	shalt  }
0x4e: {  	_ =	shalt  }
0x4f: {  	_ =	shalt  }
0x50: {  	_ =	shalt  }
0x51: {  	_ =	shalt  }
0x52: {  	_ =	shalt  }
0x53: {  	_ =	shalt  }
0x54: {  	_ =	shalt  }
0x55: {  	_ =	shalt  }
0x56: {  	_ =	shalt  }
0x57: {  	_ =	shalt  }
0x58: {  	_ =	shalt  }
0x59: {  	_ =	shalt  }
0x5a: {  	_ =	shalt  }
0x5b: {  	_ =	shalt  }
0x5c: {  	_ =	shalt  }
0x5d: {  	_ =	shalt  }
0x5e: {  	_ =	shalt  }
0x5f: {  	_ =	shalt  }
0x60: {  	_ =	shalt  }
0x61: {  	_ =	shalt  }
0x62: {  	_ =	shalt  }
0x63: {  	_ =	shalt  }
0x64: {  	_ =	shalt  }
0x65: {  	_ =	shalt  }
0x66: {  	_ =	shalt  }
0x67: {  	_ =	shalt  }
0x68: {  	_ =	shalt  }
0x69: {  	_ =	shalt  }
0x6a: {  	_ =	shalt  }
0x6b: {  	_ =	shalt  }
0x6c: {  	_ =	shalt  }
0x6d: {  	_ =	shalt  }
0x6e: {  	_ =	shalt  }
0x6f: {  	_ =	shalt  }
0x70: {  	_ =	shalt  }
0x71: {  	_ =	shalt  }
0x72: {  	_ =	shalt  }
0x73: {  	_ =	shalt  }
0x74: {  	_ =	shalt  }
0x75: {  	_ =	shalt  }
0x76: {  	_ =	shalt  }
0x77: {  	_ =	shalt  }
0x78: {  	_ =	shalt  }
0x79: {  	_ =	shalt  }
0x7a: {  	_ =	shalt  }
0x7b: {  	_ =	shalt  }
0x7c: {  	_ =	shalt  }
0x7d: {  	_ =	shalt  }
0x7e: {  	_ =	shalt  }
0x7f: {  	_ =	shalt  }
0x80: {  	_ =	shalt  }
0x81: {  	_ =	shalt  }
0x82: {  	_ =	shalt  }
0x83: {  	_ =	shalt  }
0x84: {  	_ =	shalt  }
0x85: {  	_ =	shalt  }
0x86: {  	_ =	shalt  }
0x87: {  	_ =	shalt  }
.Lfunc_end0:
.L_simem_size_0:
called_computation.2_lowered:
.L_overlay_start_0:
0x88: {  	s2 =	sld [smem:$0x3FD9]  }
0x89: {  	s3 =	sld [smem:$0x3FFE];
	_ =	sdelay $0x1  }
0x8a: {  	s1 =	srdreg.scid  }
0x8b: {  	s0 =	sand.u32 $0x1, s1  }
0x8c: {  	s17 =	sshll.u32 s0, $0xA;
	s2 =	sadd.s32 s3, s2  }
0x8d: {  	s2 =	sadd.s32 s2, s17  }
0x8e: {  	[smem:$0x3FBA] =	sst s2  }
0x8f: {  	_ = 	snop  }
0x90: {  	s2 =	sld [smem:$0x3FD0];
	(tm) =	ssettm $0x1  }
0x91: {  	s18 =	sld [smem:$0x3FFB];
	_ =	sdelay $0x3  }
0x92: {  	_ =	strace s18  }
0x93: {  	s3 =	sld [smem:$0x3FFC];
	_ =	sdelay $0x3  }
0x94: {  	_ =	strace s3  }
0x95: {  	s3 =	sld [smem:$0x3FFD];
	_ =	sdelay $0x3  }
0x96: {  	_ =	strace s3  }
0x97: {  	_ =	strace $0x8FFFFFFF  }
0x98: {  	s19 =	sld [smem:$0x3FDB];
	_ =	sdelay $0x1  }
0x99: {  	s4 =	simm.s32 $_scs_section_size  }
0x9a: {  	s5 =	simm.s32 $_size__tile_overlayer_lowered;
	s6 =	simm.s32 $_tile_overlayer_lowered  }
0x9b: {  	s22 =	simm.s32 $0x1BFF;
	s21 =	sshll.u32 s6, $0x1;
	s3 =	sadd.s32 s4, s19  }
0x9c: {  	s7 =	simm.s32 $0x0;
	s20 =	sshll.u32 s5, $0x1;
	s5 =	sadd.s32 s21, s3  }
0x9d: {  	[timem:s7], [sflag:s22] =	dma.local [hbm:s5], s20  }
0x9e: {  	_ =	swait.ge [sflag:s22], s20  }
0x9f: {  	s4 =	ssub.s32 $0x0, s20;
	[sflag:s22] =	ssyncset.done $0x0  }
0xa0: {  	[sflag:s22] =	ssyncadd.s32 s4;
	_ =	sdelay $0x1  }
0xa1: {  	s23 =	simm.s32 $0x1B8B  }
0xa2: {  	_ =	swait.ge [sflag:s23], $0x1  }
0xa3: {  	[sflag:s23] =	ssyncset.done $0x0  }
0xa4: {  	s25 =	simm.s32 $0x1B8E;
	s24 =	sld [smem:$0x3FFE];
	[sflag:s23] =	ssyncadd.s32 $0xFFFFFFFF  }
0xa5: {  	s26 =	simm.s32 $execute0_lowered;
	[smem:$0x3FD2] =	sst s25  }
0xa6: {  	s5 =	sshll.u32 s26, $0x1;
	_ =	strace $0x8000004C;
	[dreg:$0x1] =	wrdreg $0xFFFFFFFF  }
0xa7: {  	s28 =	simm.s32 $_size_execute0_lowered;
	s3 =	sadd.s32 s3, s5;
	[dreg:$0x0] =	wrdreg $0x0  }
0xa8: {  	s5 =	sshll.u32 s28, $0x1;
	[dreg:$0x2] =	wrdreg s3  }
0xa9: {  	[dreg:$0x3] =	wrdreg s5  }
0xaa: {  	[dreg:$0x4] =	wrdreg $0xC0  }
0xab: {  	_ =	task [dreg:s7], $0x5FFFF  }
0xac: {  	[dreg:$0x1] =	wrdreg $0xFFFFFFFF  }
0xad: {  	[dreg:$0x0] =	wrdreg $0x60  }
0xae: {  	[dreg:$0x2] =	wrdreg s2  }
0xaf: {  	[dreg:$0x3] =	wrdreg s24  }
0xb0: {  	[dreg:$0x4] =	wrdreg $0x0  }
0xb1: {  	[dreg:$0x5] =	wrdreg $0x9  }
0xb2: {  	_ =	task.clear_ibuf [dreg:s7], $0x6FFFF;
	_ =	strace $0x9000004C  }
0xb3: {  	s29 =	simm.s32 $0x9;
	_ =	strace $0x8000004E  }
0xb4: {  	_ =	swait.ge [sflag:s29], $0x1  }
0xb5: {  	[sflag:s29] =	ssyncadd.s32 $0xFFFFFFFF  }
0xb6: {  	_ =	strace $0x9000004E  }
0xb7: {  	_ =	sfence  }
0xb8: {  	s30 =	sld [smem:$0x0];
	_ =	sdelay $0x2  }
0xb9: {  	s31 =	sshll.u32 s1, $0xD;
	s1 =	sshrl.u32 s1, $0x2  }
0xba: {  	s3 =	sand.u32 $0x4000, s31;
	s1 =	sadd.s32 s1, s30  }
0xbb: {  	s0 =	sor.u32 s3, s0;
	s1 =	sshll.u32 s1, $0x11  }
0xbc: {  	s0 =	sor.u32 s1, s0  }
0xbd: {  	s0 =	sadd.s32 $0x8F2B, s0  }
0xbe: {  	[sflag:s0] =	ssyncadd.remote.s32 $0x1  }
0xbf: {  	_ =	sfence.sel $0xFFFF  }
0xc0: {  	[dreg:$0x0] =	wrdreg $0xFFFFFFFF;
	(pc) =	sbr.abs _section_cstart, $3  }
0xc1: {  	[dreg:$0x1] =	wrdreg $0xFFFFFFFF  }
0xc2: {  	_ =	task.clear_ibuf [dreg:s7], $0x2FFFF;
	_ =	strace $0x9FFFFFFF  }
0xc3: {  	(tm) =	ssettm $0x7FFFFFFF  }
tec
execute0_lowered:
.L_overlay_start_1:
0x0: {  	(tag) =	ssettag $0x1  }
0x1: {  	s1 =	rddreg [dreg:$0x0]  }
0x2: {  	s0 =	rddreg [dreg:$0x1]  }
0x3: {  	s2 =	rddreg [dreg:$0x2]  }
0x4: {  	s3 =	srdreg.scid;
	s5 =	simm.s32 $0x0;
	s19 =	stileid.u32  }
0x5: {  	s28 =	simm.s32 $0x1A800;
	s29 =	simm.s32 $0x1;
	s30 =	simm.s32 $0x2  }
0x6: {  	s31 =	simm.s32 $0x15380;
	s3 =	sand.u32 $0x1, s3;
	s16 =	smul.u32 $0x14000, s19  }
0x7: {  	[smem:$0x7FF] =	sst s5;
	s6 =	sadd.s32 $0x2800, s0;
	s8 =	smul.u32 $0x2800, s19  }
0x8: {  	s15 =	sadd.s32 $0xC800, s0;
	p2 =	sne.s32 s19, $0xF;
	s10 =	smul.u32 $0x50000, s19  }
0x9: {  	p1 =	seq.s32 s19, $0xF;
	s21 =	sadd.s32 $0x25800, s1;
	s4 =	smul.u32 $0x140000, s3  }
0xa: {  	_ =	strace $0x8000004D;
	s17 =	ssub.s32 $0x2, s3;
	s18 =	sshll.u32 s3, $0x4  }
0xb: {  	p0 =	seq.s32 s3, $0x0;
	[dreg:$0x5] =	wrdreg s21;
	s9 =	sadd.s32 s8, s0  }
0xc: {  	s7 =	sshrl.u32 s17, $0x1;
	p3 =	por !p0, !p2;
	p1 =	por !p0, !p1  }
0xd: {  	s11 =	sor.u32 s19, s18;
	s20 =	sshrl.u32 s10, $0x2;
	s22 =	sadd.s32 s1, s8  }
0xe: {  	s4 =	sadd.s32 s16, s4;
	s5 =	ssub.s32 s17, s7;
	p0 =	por !p3, !p3  }
0xf: {  	p6 =	por !p1, !p1;
	s16 =	sadd.s32 $0x138800, s2;
	s17 =	sadd.s32 $0x12C000, s2  }
0x10: {  	s7 =	sadd.s32 s20, s2;
	[dreg:$0x6] =	wrdreg s22;
	p1 =	seq.s32 s3, $0x1  }
0x11: {  	s23 =	smul.u32 $0x500, s11;
	s24 =	sadd.s32 $0x16800, s9;
	s22 =	simm.s32 $0x14000  }
0x12: {  	s3 =	simm.s32 $0x16780;
	s4 =	sshrl.u32 s4, $0x3;
	[dreg:$0x7] =	wrdreg s24  }
0x13: {  	p2 =	por p2, p1;
	s11 =	smax.u32 s5, $0x1;
	p3 =	por !p6, p0  }
0x14: {  	s21 =	sshrl.u32 @p1 s7, $0x3;
	s24 =	simm.s32 $0x15400;
	s4 =	sadd.s32 s4, s0  }
0x15: {  	s0 =	sadd.s32 $0x3D900, s0;
	s12 =	sadd.s32 s6, s23;
	s26 =	sadd.s32 $0x280, s23  }
0x16: {  	s13 =	sadd.s32 s15, s23;
	s16 =	sshrl.u32 @!p3 s16, $0x3;
	s17 =	sshrl.u32 @!p3 s17, $0x3  }
0x17: {  	s23 =	simm.s32 $0x3;
	[dreg:$0x4] =	wrdreg s0;
	s25 =	sadd.s32 $0x3E800, s4  }
0x18: {  	s14 =	sadd.s32 s6, s26;
	s15 =	sadd.s32 s15, s26;
	s0 =	sshll.u32 @p0 s19, $0x6  }
0x19: {  	s26 =	simm.s32 $0x16800;
	s4 =	simm.s32 $0x0;
	[dreg:$0x8] =	wrdreg s25  }
0x1a: {  	s18 =	sor.u32 @p0 $0x1C02, s0;
	s0 =	sshll.u32 @p1 s19, $0x6;
	s19 =	sshrl.u32 @p0 s7, $0x3  }
0x1b: {  	s25 =	simm.s32 $0x80;
	s20 =	sor.u32 @p1 $0x1C02, s0;
	s0 =	simm.s32 $0x16700  }
.LBB2_1:
0x1c: {  	s5 =	simm.s32 @!p3 $0x1FC3;
	s6 =	rddreg [dreg:$0x4]  }
0x1d: {  	[spmem:s16], [sflag:s5] =	dma.local @!p3 [hbm:s6], $0xF00  }
0x1e: {  	s5 =	simm.s32 @!p3 $0x3  }
0x1f: {  	_ =	swait.ge @!p3 [sflag:s5], $0xF00  }
0x20: {  	[sflag:s5] =	ssyncset.done @!p3 $0x0  }
0x21: {  	s6 =	rddreg [dreg:$0x5];
	[sflag:s5] =	ssyncadd.s32 @!p3 $0xFFFFF100;
	s5 =	simm.s32 @!p3 $0x1FC2  }
0x22: {  	[spmem:s17], [sflag:s5] =	dma.local @!p3 [hbm:s6], $0x1900  }
0x23: {  	s5 =	rddreg [dreg:$0x6]  }
0x24: {  	[spmem:s19], [sflag:s18] =	dma.local @p0 [hbm:s5], $0x2800  }
0x25: {  	s10 =	simm.s32 $0x0;
	s5 =	rddreg [dreg:$0x7]  }
0x26: {  	[spmem:s21], [sflag:s20] =	dma.local @p1 [hbm:s5], $0x2800  }
0x27: {  	[tilespmem:s22], [sflag:$0x3] =	stream.linear.gather [hbm4b:s12+s10], $0x1400, $0x38;
	[tilespmem:$0x1E800] =	vst v63  }
0x28: {  	_ =	swait.ge [sflag:s23], $0x1400  }
0x29: {  	[sflag:s23] =	ssyncset.done $0x0  }
0x2a: {  	[sflag:s23] =	ssyncadd.s32 $0xFFFFEC00  }
0x2b: {  	[tilespmem:s24], [sflag:$0x3] =	stream.linear.gather [hbm4b:s13+s10], $0x1400, $0x38;
	[tilespmem:$0x1E800] =	vst v63  }
0x2c: {  	_ =	swait.ge [sflag:s23], $0x1400  }
0x2d: {  	p4 =	por @!p0 $0x0, $0x0;
	[sflag:s23] =	ssyncset.done $0x0  }
0x2e: {  	p5 =	por @!p3 $0x1, $0x1;
	s5 =	simm.s32 @p2 $0x2;
	[sflag:s23] =	ssyncadd.s32 $0xFFFFEC00  }
0x2f: {  	[tilespmem:s26], [sflag:$0x1] =	stream.indirect.gather [hbm4b:s1+s25], $0x80, s22, s25, $0xb8;
	[tilespmem:$0x1E800] =	vst v63  }
0x30: {  	p4 =	por @!p3 p5, p5;
	p5 =	por @p0 $0x0, $0x0;
	_ =	swait.ge @p2 [sflag:s5], $0x2800  }
0x31: {  	p5 =	por @!p0 p4, p4;
	[sflag:s5] =	ssyncset.done @p2 $0x0  }
0x32: {  	[sflag:s5] =	ssyncadd.s32 @p2 $0xFFFFD800;
	s5 =	simm.s32 @p5 $0x2  }
0x33: {  	_ =	swait.ge @p5 [sflag:s5], $0x1900  }
0x34: {  	[sflag:s5] =	ssyncset.done @p5 $0x0  }
0x35: {  	[sflag:s5] =	ssyncadd.s32 @p5 $0xFFFFE700  }
0x36: {  	s6 =	simm.s32 $0x14080;
	[bflag:$0x0] =	sbarrier.arrive $0xFFFF  }
0x37: {  	[tilespmem:s28], [sflag:$0x2] =	stream.indirect.gather [hbm4b:s1+s25], $0x80, s6, s25, $0xb8;
	[tilespmem:$0x1E800] =	vst v63  }
0x38: {  	_ =	swait.ge [sflag:s29], $0x4000  }
0x39: {  	[sflag:s29] =	ssyncset.done $0x0  }
0x3a: {  	s8 =	simm.s32 $0x15400;
	[sflag:s29] =	ssyncadd.s32 $0xFFFFC000  }
0x3b: {  	[spmem:s2] =	stream.indirect.scatter.add.f32 [tilespmem:s26], [sflag:$0x3], $0x80, s8, s25, $0xb8;
	[tilespmem:$0x1E800] =	vst v63  }
0x3c: {  	_ =	swait.ge [sflag:s23], $0x4000  }
0x3d: {  	[sflag:s23] =	ssyncset.done $0x0  }
0x3e: {  	s9 =	simm.s32 $0x14100;
	[sflag:s23] =	ssyncadd.s32 $0xFFFFC000  }
0x3f: {  	[tilespmem:s26], [sflag:$0x1] =	stream.indirect.gather [hbm4b:s1+s25], $0x80, s9, s25, $0xb8;
	[tilespmem:$0x1E800] =	vst v63  }
0x40: {  	_ =	swait.ge [sflag:s30], $0x4000  }
0x41: {  	[sflag:s30] =	ssyncset.done $0x0  }
0x42: {  	s10 =	simm.s32 $0x15480;
	[sflag:s30] =	ssyncadd.s32 $0xFFFFC000  }
0x43: {  	[spmem:s2] =	stream.indirect.scatter.add.f32 [tilespmem:s28], [sflag:$0x3], $0x80, s10, s25, $0xb8;
	[tilespmem:$0x1E800] =	vst v63  }
0x44: {  	_ =	swait.ge [sflag:s23], $0x4000  }
0x45: {  	s5 =	simm.s32 $0x100;
	s6 =	simm.s32 $0x800;
	[sflag:s23] =	ssyncset.done $0x0  }
.LBB2_2:
0x46: {  	s8 =	sadd.s32 $0x14080, s5  }
0x47: {  	[sflag:s23] =	ssyncadd.s32 $0xFFFFC000;
	s9 =	smov.u32 s6;
	s10 =	sadd.s32 $0x400, s6  }
0x48: {  	[tilespmem:s28], [sflag:$0x2] =	stream.indirect.gather [hbm4b:s1+s25], $0x80, s8, s25, $0xb8;
	[tilespmem:$0x1E800] =	vst v63  }
0x49: {  	p4 =	sne.s32 s6, $0x4800;
	_ =	swait.ge [sflag:s29], $0x4000  }
0x4a: {  	[sflag:s29] =	ssyncset.done $0x0  }
0x4b: {  	s6 =	sadd.s32 $0x15400, s5;
	[sflag:s29] =	ssyncadd.s32 $0xFFFFC000  }
0x4c: {  	[spmem:s2] =	stream.indirect.scatter.add.f32 [tilespmem:s26], [sflag:$0x3], $0x80, s6, s25, $0xb8;
	[tilespmem:$0x1E800] =	vst v63  }
0x4d: {  	_ =	swait.ge [sflag:s23], $0x4000  }
0x4e: {  	[sflag:s23] =	ssyncset.done $0x0  }
0x4f: {  	s6 =	sadd.s32 $0x14100, s5;
	[sflag:s23] =	ssyncadd.s32 $0xFFFFC000  }
0x50: {  	[tilespmem:s26], [sflag:$0x1] =	stream.indirect.gather [hbm4b:s1+s25], $0x80, s6, s25, $0xb8;
	[tilespmem:$0x1E800] =	vst v63  }
0x51: {  	_ =	swait.ge [sflag:s30], $0x4000  }
.Ltmp0:
0x52: {  	[sflag:s30] =	ssyncset.done $0x0;
	(pc) =	sbr.rel @p4 .LBB2_2-.Ltmp0, $4  }
0x53: {  	s5 =	sadd.s32 $0x15480, s5;
	[sflag:s30] =	ssyncadd.s32 $0xFFFFC000  }
0x54: {  	[spmem:s2] =	stream.indirect.scatter.add.f32 [tilespmem:s28], [sflag:$0x3], $0x80, s5, s25, $0xb8;
	[tilespmem:$0x1E800] =	vst v63  }
0x55: {  	_ =	swait.ge [sflag:s23], $0x4000  }
0x56: {  	s6 =	smov.u32 s10;
	s5 =	sshra.s32 s9, $0x2;
	[sflag:s23] =	ssyncset.done $0x0  }
0x57: {  	s6 =	sadd.s32 $0x14080, s5;
	[sflag:s23] =	ssyncadd.s32 $0xFFFFC000  }
0x58: {  	[tilespmem:s28], [sflag:$0x2] =	stream.indirect.gather [hbm4b:s1+s25], $0x80, s6, s25, $0xb8;
	[tilespmem:$0x1E800] =	vst v63  }
0x59: {  	_ =	swait.ge [sflag:s29], $0x4000  }
0x5a: {  	[sflag:s29] =	ssyncset.done $0x0  }
0x5b: {  	s10 =	sadd.s32 $0x15400, s5;
	[sflag:s29] =	ssyncadd.s32 $0xFFFFC000  }
0x5c: {  	[spmem:s2] =	stream.indirect.scatter.add.f32 [tilespmem:s26], [sflag:$0x3], $0x80, s10, s25, $0xb8;
	[tilespmem:$0x1E800] =	vst v63  }
0x5d: {  	_ =	swait.ge [sflag:s23], $0x4000  }
0x5e: {  	[sflag:s23] =	ssyncset.done $0x0  }
0x5f: {  	s8 =	sadd.s32 $0x14100, s5;
	[sflag:s23] =	ssyncadd.s32 $0xFFFFC000  }
0x60: {  	[tilespmem:s26], [sflag:$0x1] =	stream.indirect.gather [hbm4b:s1+s25], $0x80, s8, s25, $0xb8;
	[tilespmem:$0x1E800] =	vst v63  }
0x61: {  	_ =	swait.ge [sflag:s30], $0x4000  }
0x62: {  	[sflag:s30] =	ssyncset.done $0x0  }
0x63: {  	s9 =	sadd.s32 $0x15480, s5;
	[sflag:s30] =	ssyncadd.s32 $0xFFFFC000  }
0x64: {  	[spmem:s2] =	stream.indirect.scatter.add.f32 [tilespmem:s28], [sflag:$0x3], $0x80, s9, s25, $0xb8;
	[tilespmem:$0x1E800] =	vst v63  }
0x65: {  	_ =	swait.ge [sflag:s23], $0x4000  }
0x66: {  	[sflag:s23] =	ssyncset.done $0x0  }
0x67: {  	[sflag:s23] =	ssyncadd.s32 $0xFFFFC000  }
0x68: {  	[tilespmem:s28], [sflag:$0x2] =	stream.indirect.gather [hbm4b:s1+s25], $0x80, s31, s25, $0xb8;
	[tilespmem:$0x1E800] =	vst v63  }
0x69: {  	_ =	swait.ge [sflag:s29], $0x4000  }
0x6a: {  	[sflag:s29] =	ssyncset.done $0x0  }
0x6b: {  	[sflag:s29] =	ssyncadd.s32 $0xFFFFC000  }
0x6c: {  	[spmem:s2] =	stream.indirect.scatter.add.f32 [tilespmem:s26], [sflag:$0x3], $0x80, s0, s25, $0xb8;
	[tilespmem:$0x1E800] =	vst v63  }
0x6d: {  	_ =	swait.ge [sflag:s23], $0x4000  }
0x6e: {  	[sflag:s23] =	ssyncset.done $0x0  }
0x6f: {  	[sflag:s23] =	ssyncadd.s32 $0xFFFFC000  }
0x70: {  	_ =	swait.ge [sflag:s30], $0x4000  }
0x71: {  	[sflag:s30] =	ssyncset.done $0x0  }
0x72: {  	[sflag:s30] =	ssyncadd.s32 $0xFFFFC000  }
0x73: {  	[spmem:s2] =	stream.indirect.scatter.add.f32 [tilespmem:s28], [sflag:$0x3], $0x80, s3, s25, $0xb8;
	[tilespmem:$0x1E800] =	vst v63  }
0x74: {  	_ =	swait.ge [sflag:s23], $0x4000  }
0x75: {  	[sflag:s23] =	ssyncset.done $0x0  }
0x76: {  	s10 =	simm.s32 $0x0;
	[sflag:s23] =	ssyncadd.s32 $0xFFFFC000  }
0x77: {  	[tilespmem:s22], [sflag:$0x3] =	stream.linear.gather [hbm4b:s14+s10], $0x1400, $0x38;
	[tilespmem:$0x1E800] =	vst v63  }
0x78: {  	_ =	swait.ge [sflag:s23], $0x1400  }
0x79: {  	[sflag:s23] =	ssyncset.done $0x0  }
0x7a: {  	[sflag:s23] =	ssyncadd.s32 $0xFFFFEC00  }
0x7b: {  	[tilespmem:s24], [sflag:$0x3] =	stream.linear.gather [hbm4b:s15+s10], $0x1400, $0x38;
	[tilespmem:$0x1E800] =	vst v63  }
0x7c: {  	_ =	swait.ge [sflag:s23], $0x1400  }
0x7d: {  	[sflag:s23] =	ssyncset.done $0x0  }
0x7e: {  	[sflag:s23] =	ssyncadd.s32 $0xFFFFEC00  }
0x7f: {  	[tilespmem:s26], [sflag:$0x1] =	stream.indirect.gather [hbm4b:s1+s25], $0x80, s22, s25, $0xb8;
	[tilespmem:$0x1E800] =	vst v63  }
0x80: {  	s6 =	simm.s32 $0x14080  }
0x81: {  	[tilespmem:s28], [sflag:$0x2] =	stream.indirect.gather [hbm4b:s1+s25], $0x80, s6, s25, $0xb8;
	[tilespmem:$0x1E800] =	vst v63  }
0x82: {  	_ =	swait.ge [sflag:s29], $0x4000  }
0x83: {  	[sflag:s29] =	ssyncset.done $0x0  }
0x84: {  	s8 =	simm.s32 $0x15400;
	[sflag:s29] =	ssyncadd.s32 $0xFFFFC000  }
0x85: {  	[spmem:s2] =	stream.indirect.scatter.add.f32 [tilespmem:s26], [sflag:$0x3], $0x80, s8, s25, $0xb8;
	[tilespmem:$0x1E800] =	vst v63  }
0x86: {  	_ =	swait.ge [sflag:s23], $0x4000  }
0x87: {  	[sflag:s23] =	ssyncset.done $0x0  }
0x88: {  	s9 =	simm.s32 $0x14100;
	[sflag:s23] =	ssyncadd.s32 $0xFFFFC000  }
0x89: {  	[tilespmem:s26], [sflag:$0x1] =	stream.indirect.gather [hbm4b:s1+s25], $0x80, s9, s25, $0xb8;
	[tilespmem:$0x1E800] =	vst v63  }
0x8a: {  	_ =	swait.ge [sflag:s30], $0x4000  }
0x8b: {  	[sflag:s30] =	ssyncset.done $0x0  }
0x8c: {  	s10 =	simm.s32 $0x15480;
	[sflag:s30] =	ssyncadd.s32 $0xFFFFC000  }
0x8d: {  	[spmem:s2] =	stream.indirect.scatter.add.f32 [tilespmem:s28], [sflag:$0x3], $0x80, s10, s25, $0xb8;
	[tilespmem:$0x1E800] =	vst v63  }
0x8e: {  	_ =	swait.ge [sflag:s23], $0x4000  }
0x8f: {  	s5 =	simm.s32 $0x100;
	s6 =	simm.s32 $0x800;
	[sflag:s23] =	ssyncset.done $0x0  }
.LBB2_4:
0x90: {  	s8 =	sadd.s32 $0x14080, s5  }
0x91: {  	[sflag:s23] =	ssyncadd.s32 $0xFFFFC000;
	s9 =	smov.u32 s6;
	s10 =	sadd.s32 $0x400, s6  }
0x92: {  	[tilespmem:s28], [sflag:$0x2] =	stream.indirect.gather [hbm4b:s1+s25], $0x80, s8, s25, $0xb8;
	[tilespmem:$0x1E800] =	vst v63  }
0x93: {  	p4 =	sne.s32 s6, $0x4800;
	_ =	swait.ge [sflag:s29], $0x4000  }
0x94: {  	[sflag:s29] =	ssyncset.done $0x0  }
0x95: {  	s6 =	sadd.s32 $0x15400, s5;
	[sflag:s29] =	ssyncadd.s32 $0xFFFFC000  }
0x96: {  	[spmem:s2] =	stream.indirect.scatter.add.f32 [tilespmem:s26], [sflag:$0x3], $0x80, s6, s25, $0xb8;
	[tilespmem:$0x1E800] =	vst v63  }
0x97: {  	_ =	swait.ge [sflag:s23], $0x4000  }
0x98: {  	[sflag:s23] =	ssyncset.done $0x0  }
0x99: {  	s6 =	sadd.s32 $0x14100, s5;
	[sflag:s23] =	ssyncadd.s32 $0xFFFFC000  }
0x9a: {  	[tilespmem:s26], [sflag:$0x1] =	stream.indirect.gather [hbm4b:s1+s25], $0x80, s6, s25, $0xb8;
	[tilespmem:$0x1E800] =	vst v63  }
0x9b: {  	_ =	swait.ge [sflag:s30], $0x4000  }
.Ltmp1:
0x9c: {  	[sflag:s30] =	ssyncset.done $0x0;
	(pc) =	sbr.rel @p4 .LBB2_4-.Ltmp1, $4  }
0x9d: {  	s5 =	sadd.s32 $0x15480, s5;
	[sflag:s30] =	ssyncadd.s32 $0xFFFFC000  }
0x9e: {  	[spmem:s2] =	stream.indirect.scatter.add.f32 [tilespmem:s28], [sflag:$0x3], $0x80, s5, s25, $0xb8;
	[tilespmem:$0x1E800] =	vst v63  }
0x9f: {  	_ =	swait.ge [sflag:s23], $0x4000  }
0xa0: {  	s6 =	smov.u32 s10;
	s5 =	sshra.s32 s9, $0x2;
	[sflag:s23] =	ssyncset.done $0x0  }
0xa1: {  	s6 =	sadd.s32 $0x14080, s5;
	[sflag:s23] =	ssyncadd.s32 $0xFFFFC000  }
0xa2: {  	[tilespmem:s28], [sflag:$0x2] =	stream.indirect.gather [hbm4b:s1+s25], $0x80, s6, s25, $0xb8;
	[tilespmem:$0x1E800] =	vst v63  }
0xa3: {  	_ =	swait.ge [sflag:s29], $0x4000  }
0xa4: {  	[sflag:s29] =	ssyncset.done $0x0  }
0xa5: {  	s9 =	sadd.s32 $0x15400, s5;
	[sflag:s29] =	ssyncadd.s32 $0xFFFFC000  }
0xa6: {  	[spmem:s2] =	stream.indirect.scatter.add.f32 [tilespmem:s26], [sflag:$0x3], $0x80, s9, s25, $0xb8;
	[tilespmem:$0x1E800] =	vst v63  }
0xa7: {  	_ =	swait.ge [sflag:s23], $0x4000  }
0xa8: {  	[sflag:s23] =	ssyncset.done $0x0  }
0xa9: {  	s10 =	sadd.s32 $0x14100, s5;
	[sflag:s23] =	ssyncadd.s32 $0xFFFFC000  }
0xaa: {  	[tilespmem:s26], [sflag:$0x1] =	stream.indirect.gather [hbm4b:s1+s25], $0x80, s10, s25, $0xb8;
	[tilespmem:$0x1E800] =	vst v63  }
0xab: {  	_ =	swait.ge [sflag:s30], $0x4000  }
0xac: {  	[sflag:s30] =	ssyncset.done $0x0  }
0xad: {  	s8 =	sadd.s32 $0x15480, s5;
	[sflag:s30] =	ssyncadd.s32 $0xFFFFC000  }
0xae: {  	[spmem:s2] =	stream.indirect.scatter.add.f32 [tilespmem:s28], [sflag:$0x3], $0x80, s8, s25, $0xb8;
	[tilespmem:$0x1E800] =	vst v63  }
0xaf: {  	_ =	swait.ge [sflag:s23], $0x4000  }
0xb0: {  	[sflag:s23] =	ssyncset.done $0x0  }
0xb1: {  	[sflag:s23] =	ssyncadd.s32 $0xFFFFC000  }
0xb2: {  	[tilespmem:s28], [sflag:$0x2] =	stream.indirect.gather [hbm4b:s1+s25], $0x80, s31, s25, $0xb8;
	[tilespmem:$0x1E800] =	vst v63  }
0xb3: {  	_ =	swait.ge [sflag:s29], $0x4000  }
0xb4: {  	[sflag:s29] =	ssyncset.done $0x0  }
0xb5: {  	[sflag:s29] =	ssyncadd.s32 $0xFFFFC000  }
0xb6: {  	[spmem:s2] =	stream.indirect.scatter.add.f32 [tilespmem:s26], [sflag:$0x3], $0x80, s0, s25, $0xb8;
	[tilespmem:$0x1E800] =	vst v63  }
0xb7: {  	_ =	swait.ge [sflag:s23], $0x4000  }
0xb8: {  	[sflag:s23] =	ssyncset.done $0x0  }
0xb9: {  	[sflag:s23] =	ssyncadd.s32 $0xFFFFC000  }
0xba: {  	_ =	swait.ge [sflag:s30], $0x4000  }
0xbb: {  	[sflag:s30] =	ssyncset.done $0x0  }
0xbc: {  	[sflag:s30] =	ssyncadd.s32 $0xFFFFC000  }
0xbd: {  	[spmem:s2] =	stream.indirect.scatter.add.f32 [tilespmem:s28], [sflag:$0x3], $0x80, s3, s25, $0xb8;
	[tilespmem:$0x1E800] =	vst v63  }
0xbe: {  	_ =	swait.ge [sflag:s23], $0x4000  }
0xbf: {  	s9 =	stileid.u32;
	[sflag:s23] =	ssyncset.done $0x0  }
0xc0: {  	s4 =	sadd.s32 $0x1, s4;
	s5 =	sshll.u32 s9, $0x6;
	[sflag:s23] =	ssyncadd.s32 $0xFFFFC000  }
0xc1: {  	p4 =	sne.s32 s4, s11;
	s5 =	sor.u32 $0x1C03, s5;
	[bflag:$0x0] =	sbarrier.arrive $0xFFFF  }
.Ltmp2:
0xc2: {  	s10 =	sshrl.u32 s7, $0x3;
	s8 =	rddreg [dreg:$0x8];
	(pc) =	sbr.rel @p4 .LBB2_1-.Ltmp2, $4  }
0xc3: {  	[hbm:s8], [sflag:s5] =	dma.local [spmem:s10], $0x2800  }
0xc4: {  	_ =	swait.ge [sflag:s23], $0x2800  }
0xc5: {  	[sflag:s23] =	ssyncset.done $0x0  }
0xc6: {  	[sflag:s23] =	ssyncadd.s32 $0xFFFFD800  }
0xc7: {  	_ =	sfence.sel $0x180000  }
0xc8: {  	[bflag:$0x0] =	sbarrier.arrive $0xFFFF  }
0xc9: {  	_ =	strace $0x9000004D  }
0xca: {  	s0 =	stileid.u32;
	[bflag:$0x2] =	sbarrier.arrive $0xFFFF  }
0xcb: {  	p0 =	sne.s32 s0, $0x0;
	s0 =	rddreg [dreg:$0x3]  }
0xcc: {  	s0 =	sadd.s32 @!p0 $0x100000, s0  }
0xcd: {  	[sflag:s0] =	ssyncadd.tile.s32 @!p0 $0x1;
	_ =	shalt  }
.Lfunc_end2:
_tile_overlayer_lowered:
.L_overlay_start_2:
0xce: {  	(tag) =	ssettag $0x2  }
0xcf: {  	s0 =	rddreg [dreg:$0x0];
	s2 =	stileid.u32  }
0xd0: {  	s1 =	rddreg [dreg:$0x1];
	p0 =	sne.s32 s2, $0x0  }
0xd1: {  	s3 =	rddreg [dreg:$0x2];
	[bflag:$0x3] =	sbarrier.arrive $0xFFFF;
	s2 =	simm.s32 @!p0 $0x1C03  }
0xd2: {  	[timem:s3], [sflag:s2] =	dma.local @!p0 [hbm:s0], s1  }
0xd3: {  	s0 =	simm.s32 @!p0 $0x3  }
0xd4: {  	_ =	swait.ge @!p0 [sflag:s0], s1  }
0xd5: {  	s1 =	ssub.s32 @!p0 $0x0, s1;
	[sflag:s0] =	ssyncset.done @!p0 $0x0  }
0xd6: {  	[sflag:s0] =	ssyncadd.s32 @!p0 s1  }
0xd7: {  	[bflag:$0x3] =	sbarrier.arrive $0xFFFF  }
0xd8: {  	_ =	shalt  }

// kernel: kernel.8.cloned.1.call-start
scs
__scs_entry_jumppad:
0x0: {  	(pc) =	sbr.rel $0x88, $3  }
0x1: {  	(tag) =	ssettag $0x0;
	lr =	simm.s32 $0x1  }
0x2: {  	[smem:$0x3F93] =	sst lr;
	_ =	strace $0xD0000000  }
0x3: {  	_ = 	snop  }
0x4: {  	_ = 	snop  }
0x5: {  	_ = 	snop  }
0x6: {  	_ = 	snop  }
0x7: {  	_ = 	snop  }
__scs_overlays_trampoline_lowered:
0x8: {  	[smem:$0x3FA2] =	sst s0  }
0x9: {  	[smem:$0x3FA3] =	sst s1  }
0xa: {  	[smem:$0x3FA4] =	sst s2  }
0xb: {  	[smem:$0x3FA5] =	sst s3  }
0xc: {  	[smem:$0x3FA6] =	sst s4  }
0xd: {  	[smem:$0x3FA7] =	sst s5  }
0xe: {  	[smem:$0x3FA8] =	sst s6  }
0xf: {  	[smem:$0x3FA9] =	sst s7  }
0x10: {  	[smem:$0x3FAA] =	sst s8  }
0x11: {  	[smem:$0x3FAB] =	sst s9;
	s0 =	simm.s32 @!p0 $0x0  }
0x12: {  	s1 =	sld [smem:$0x3F91];
	s0 =	simm.s32 @p0 $0x1  }
0x13: {  	[smem:$0x3FAC] =	sst s0;
	s0 =	simm.s32 @!p1 $0x0  }
0x14: {  	s2 =	sld [smem:$0x3F90];
	s0 =	simm.s32 @p1 $0x1  }
0x15: {  	[smem:$0x3FAD] =	sst s0;
	s0 =	simm.s32 @!p2 $0x0  }
0x16: {  	s3 =	sld [smem:$0x3FDB];
	s0 =	simm.s32 @p2 $0x1  }
0x17: {  	s4 =	simm.s32 $0x1BF5;
	[smem:$0x3FAF] =	sst s0  }
0x18: {  	s0 =	sld [smem:$0x3F92];
	_ =	swait.ge [sflag:s4], $0x0  }
0x19: {  	s7 =	sld [smem:$0x3F93]  }
0x1a: {  	s8 =	sadd.s32 $0xFFFFE003, lr  }
0x1b: {  	s9 =	sadd.s32 $0xFFFFFEF7, lr;
	s5 =	simm.s32 $0xFFFFFFFF;
	p2 =	slt.u32 s8, $0xFFFFF086  }
0x1c: {  	p1 =	slt.u32 s9, $0xF7A;
	s5 =	simm.s32 @!p2 $0x0  }
0x1d: {  	s5 =	simm.s32 @p1 $0x1;
	p0 =	seq.s32 s7, s2  }
0x1e: {  	s7 =	smul.u32 @!p0 $0xF7A, s2;
	p2 =	seq.s32 @!p0 s5, $0x0  }
0x1f: {  	s9 =	smul.u32 $0xF7A, s1;
	s8 =	simm.s32 @!p0 $0x1BF5;
	p2 =	por !p2, p0  }
0x20: {  	[sflag:s8] =	ssyncset.s32 @!p0 $0xFFFFF086;
	s6 =	sadd.s32 @!p0 s3, s7;
	s7 =	simm.s32 @!p0 $0x108  }
0x21: {  	s3 =	sadd.s32 s3, s9;
	s6 =	sadd.s32 @!p0 $0x88, s6;
	s7 =	simm.s32 @p2 $0x1082  }
0x22: {  	[simem:s7], [sflag:s8] =	dma.local @!p0 [hbm:s6], $0xF7A  }
0x23: {  	s9 =	sor.u32 $0xD0000000, s2;
	s6 =	simm.s32 $0x108;
	_ =	swait.ge @!p0 [sflag:s8], $0x0  }
0x24: {  	s3 =	sadd.s32 $0x88, s3;
	s6 =	simm.s32 @!p1 $0x1082;
	[sflag:s4] =	ssyncset.s32 $0xFFFFF086  }
0x25: {  	[simem:s6], [sflag:s4] =	dma.local [hbm:s3], $0xF7A  }
0x26: {  	[smem:$0x3F93] =	sst s1;
	(tag) =	ssettag s2;
	_ =	strace s9  }
0x27: {  	s1 =	sld [smem:$0x3FA3]  }
0x28: {  	s2 =	sld [smem:$0x3FA4]  }
0x29: {  	s4 =	sld [smem:$0x3FA6]  }
0x2a: {  	p0 =	seq.s32 s5, $0x0;
	s5 =	sld [smem:$0x3FA7]  }
0x2b: {  	s6 =	sld [smem:$0x3FA8]  }
0x2c: {  	s7 =	sld [smem:$0x3FA9]  }
0x2d: {  	s3 =	simm.s32 $0x108;
	s8 =	sld [smem:$0x3FAA]  }
0x2e: {  	s3 =	simm.s32 @!p0 $0x1082;
	s9 =	sld [smem:$0x3FAB]  }
0x2f: {  	lr =	sadd.s32 s0, s3;
	s0 =	sld [smem:$0x3FA2]  }
0x30: {  	s3 =	sld [smem:$0x3FA5]  }
0x31: {  	[smem:$0x3FAE] =	sst s10  }
0x32: {  	s10 =	sld [smem:$0x3FAC];
	_ =	sdelay $0x3  }
0x33: {  	p0 =	seq.s32 s10, $0x1;
	s10 =	sld [smem:$0x3FAE];
	_ =	sdelay $0x3  }
0x34: {  	[smem:$0x3FAE] =	sst s10  }
0x35: {  	s10 =	sld [smem:$0x3FAD];
	_ =	sdelay $0x3  }
0x36: {  	p1 =	seq.s32 s10, $0x1;
	s10 =	sld [smem:$0x3FAE];
	_ =	sdelay $0x3  }
0x37: {  	[smem:$0x3FAE] =	sst s10  }
0x38: {  	s10 =	sld [smem:$0x3FAF]  }
0x39: {  	_ = 	snop;
	(pc) =	sbr.ind lr, $3  }
0x3a: {  	_ = 	snop  }
0x3b: {  	_ = 	snop  }
0x3c: {  	p2 =	seq.s32 s10, $0x1;
	s10 =	sld [smem:$0x3FAE]  }
0x3d: {  	_ =	shalt  }
0x3e: {  	_ =	shalt  }
0x3f: {  	_ =	shalt  }
0x40: {  	_ =	shalt  }
0x41: {  	_ =	shalt  }
0x42: {  	_ =	shalt  }
0x43: {  	_ =	shalt  }
0x44: {  	_ =	shalt  }
0x45: {  	_ =	shalt  }
0x46: {  	_ =	shalt  }
0x47: {  	_ =	shalt  }
0x48: {  	_ =	shalt  }
0x49: {  	_ =	shalt  }
0x4a: {  	_ =	shalt  }
0x4b: {  	_ =	shalt  }
0x4c: {  	_ =	shalt  }
0x4d: {  	_ =	shalt  }
0x4e: {  	_ =	shalt  }
0x4f: {  	_ =	shalt  }
0x50: {  	_ =	shalt  }
0x51: {  	_ =	shalt  }
0x52: {  	_ =	shalt  }
0x53: {  	_ =	shalt  }
0x54: {  	_ =	shalt  }
0x55: {  	_ =	shalt  }
0x56: {  	_ =	shalt  }
0x57: {  	_ =	shalt  }
0x58: {  	_ =	shalt  }
0x59: {  	_ =	shalt  }
0x5a: {  	_ =	shalt  }
0x5b: {  	_ =	shalt  }
0x5c: {  	_ =	shalt  }
0x5d: {  	_ =	shalt  }
0x5e: {  	_ =	shalt  }
0x5f: {  	_ =	shalt  }
0x60: {  	_ =	shalt  }
0x61: {  	_ =	shalt  }
0x62: {  	_ =	shalt  }
0x63: {  	_ =	shalt  }
0x64: {  	_ =	shalt  }
0x65: {  	_ =	shalt  }
0x66: {  	_ =	shalt  }
0x67: {  	_ =	shalt  }
0x68: {  	_ =	shalt  }
0x69: {  	_ =	shalt  }
0x6a: {  	_ =	shalt  }
0x6b: {  	_ =	shalt  }
0x6c: {  	_ =	shalt  }
0x6d: {  	_ =	shalt  }
0x6e: {  	_ =	shalt  }
0x6f: {  	_ =	shalt  }
0x70: {  	_ =	shalt  }
0x71: {  	_ =	shalt  }
0x72: {  	_ =	shalt  }
0x73: {  	_ =	shalt  }
0x74: {  	_ =	shalt  }
0x75: {  	_ =	shalt  }
0x76: {  	_ =	shalt  }
0x77: {  	_ =	shalt  }
0x78: {  	_ =	shalt  }
0x79: {  	_ =	shalt  }
0x7a: {  	_ =	shalt  }
0x7b: {  	_ =	shalt  }
0x7c: {  	_ =	shalt  }
0x7d: {  	_ =	shalt  }
0x7e: {  	_ =	shalt  }
0x7f: {  	_ =	shalt  }
0x80: {  	_ =	shalt  }
0x81: {  	_ =	shalt  }
0x82: {  	_ =	shalt  }
0x83: {  	_ =	shalt  }
0x84: {  	_ =	shalt  }
0x85: {  	_ =	shalt  }
0x86: {  	_ =	shalt  }
0x87: {  	_ =	shalt  }
.Lfunc_end0:
.L_simem_size_0:
called_computation_lowered:
.L_overlay_start_0:
0x88: {  	s2 =	sld [smem:$0x3FD9]  }
0x89: {  	s3 =	sld [smem:$0x3FFE];
	_ =	sdelay $0x1  }
0x8a: {  	s1 =	srdreg.scid  }
0x8b: {  	s0 =	sand.u32 $0x1, s1  }
0x8c: {  	s17 =	sshll.u32 s0, $0xA;
	s2 =	sadd.s32 s3, s2  }
0x8d: {  	s2 =	sadd.s32 s2, s17  }
0x8e: {  	[smem:$0x3FBA] =	sst s2  }
0x8f: {  	_ = 	snop  }
0x90: {  	s2 =	sld [smem:$0x3FC9];
	(tm) =	ssettm $0x1  }
0x91: {  	s18 =	sld [smem:$0x3FFB];
	_ =	sdelay $0x3  }
0x92: {  	_ =	strace s18  }
0x93: {  	s3 =	sld [smem:$0x3FFC];
	_ =	sdelay $0x3  }
0x94: {  	_ =	strace s3  }
0x95: {  	s3 =	sld [smem:$0x3FFD];
	_ =	sdelay $0x3  }
0x96: {  	_ =	strace s3  }
0x97: {  	_ =	strace $0x8FFFFFFF  }
0x98: {  	s19 =	sld [smem:$0x3FDB];
	_ =	sdelay $0x1  }
0x99: {  	s4 =	simm.s32 $_scs_section_size  }
0x9a: {  	s5 =	simm.s32 $_size__tile_overlayer_lowered;
	s6 =	simm.s32 $_tile_overlayer_lowered  }
0x9b: {  	s22 =	simm.s32 $0x1BFF;
	s21 =	sshll.u32 s6, $0x1;
	s3 =	sadd.s32 s4, s19  }
0x9c: {  	s7 =	simm.s32 $0x0;
	s20 =	sshll.u32 s5, $0x1;
	s5 =	sadd.s32 s21, s3  }
0x9d: {  	[timem:s7], [sflag:s22] =	dma.local [hbm:s5], s20  }
0x9e: {  	_ =	swait.ge [sflag:s22], s20  }
0x9f: {  	s4 =	ssub.s32 $0x0, s20;
	[sflag:s22] =	ssyncset.done $0x0  }
0xa0: {  	[sflag:s22] =	ssyncadd.s32 s4;
	_ =	sdelay $0x1  }
0xa1: {  	s23 =	simm.s32 $0x1B8B  }
0xa2: {  	_ =	swait.ge [sflag:s23], $0x1  }
0xa3: {  	[sflag:s23] =	ssyncset.done $0x0  }
0xa4: {  	s25 =	simm.s32 $0x1B8E;
	s24 =	sld [smem:$0x3FFE];
	[sflag:s23] =	ssyncadd.s32 $0xFFFFFFFF  }
0xa5: {  	s26 =	simm.s32 $execute0_lowered;
	[smem:$0x3FD2] =	sst s25  }
0xa6: {  	s5 =	sshll.u32 s26, $0x1;
	_ =	strace $0x80000046;
	[dreg:$0x1] =	wrdreg $0xFFFFFFFF  }
0xa7: {  	s28 =	simm.s32 $_size_execute0_lowered;
	s3 =	sadd.s32 s3, s5;
	[dreg:$0x0] =	wrdreg $0x0  }
0xa8: {  	s5 =	sshll.u32 s28, $0x1;
	[dreg:$0x2] =	wrdreg s3  }
0xa9: {  	[dreg:$0x3] =	wrdreg s5  }
0xaa: {  	[dreg:$0x4] =	wrdreg $0xC0  }
0xab: {  	_ =	task [dreg:s7], $0x5FFFF  }
0xac: {  	[dreg:$0x1] =	wrdreg $0xFFFFFFFF  }
0xad: {  	[dreg:$0x0] =	wrdreg $0x60  }
0xae: {  	[dreg:$0x2] =	wrdreg s2  }
0xaf: {  	[dreg:$0x3] =	wrdreg s24  }
0xb0: {  	[dreg:$0x4] =	wrdreg $0x0  }
0xb1: {  	[dreg:$0x5] =	wrdreg $0x9  }
0xb2: {  	_ =	task.clear_ibuf [dreg:s7], $0x6FFFF;
	_ =	strace $0x90000046  }
0xb3: {  	s29 =	simm.s32 $0x9;
	_ =	strace $0x80000048  }
0xb4: {  	_ =	swait.ge [sflag:s29], $0x1  }
0xb5: {  	[sflag:s29] =	ssyncadd.s32 $0xFFFFFFFF  }
0xb6: {  	_ =	strace $0x90000048  }
0xb7: {  	_ =	sfence  }
0xb8: {  	s30 =	sld [smem:$0x0];
	_ =	sdelay $0x2  }
0xb9: {  	s31 =	sshll.u32 s1, $0xD;
	s1 =	sshrl.u32 s1, $0x2  }
0xba: {  	s3 =	sand.u32 $0x4000, s31;
	s1 =	sadd.s32 s1, s30  }
0xbb: {  	s0 =	sor.u32 s3, s0;
	s1 =	sshll.u32 s1, $0x11  }
0xbc: {  	s0 =	sor.u32 s1, s0  }
0xbd: {  	s0 =	sadd.s32 $0x8F2B, s0  }
0xbe: {  	[sflag:s0] =	ssyncadd.remote.s32 $0x1  }
0xbf: {  	_ =	sfence.sel $0xFFFF  }
0xc0: {  	[dreg:$0x0] =	wrdreg $0xFFFFFFFF;
	(pc) =	sbr.abs _section_cstart, $3  }
0xc1: {  	[dreg:$0x1] =	wrdreg $0xFFFFFFFF  }
0xc2: {  	_ =	task.clear_ibuf [dreg:s7], $0x2FFFF;
	_ =	strace $0x9FFFFFFF  }
0xc3: {  	(tm) =	ssettm $0x7FFFFFFF  }
tec
execute0_lowered:
.L_overlay_start_1:
0x0: {  	(tag) =	ssettag $0x1  }
0x1: {  	s1 =	rddreg [dreg:$0x0]  }
0x2: {  	s0 =	rddreg [dreg:$0x1]  }
0x3: {  	s2 =	rddreg [dreg:$0x2]  }
0x4: {  	s3 =	srdreg.scid;
	s5 =	simm.s32 $0x0;
	s19 =	stileid.u32  }
0x5: {  	s28 =	simm.s32 $0x1A800;
	s29 =	simm.s32 $0x1;
	s30 =	simm.s32 $0x2  }
0x6: {  	s31 =	simm.s32 $0x15380;
	s3 =	sand.u32 $0x1, s3;
	s16 =	smul.u32 $0x14000, s19  }
0x7: {  	[smem:$0x7FF] =	sst s5;
	s6 =	sadd.s32 $0x2800, s0;
	s8 =	smul.u32 $0x2800, s19  }
0x8: {  	s15 =	sadd.s32 $0xC800, s0;
	p2 =	sne.s32 s19, $0xF;
	s10 =	smul.u32 $0x50000, s19  }
0x9: {  	p1 =	seq.s32 s19, $0xF;
	s21 =	sadd.s32 $0x25800, s1;
	s4 =	smul.u32 $0x140000, s3  }
0xa: {  	_ =	strace $0x80000047;
	s17 =	ssub.s32 $0x2, s3;
	s18 =	sshll.u32 s3, $0x4  }
0xb: {  	p0 =	seq.s32 s3, $0x0;
	[dreg:$0x5] =	wrdreg s21;
	s9 =	sadd.s32 s8, s0  }
0xc: {  	s7 =	sshrl.u32 s17, $0x1;
	p3 =	por !p0, !p2;
	p1 =	por !p0, !p1  }
0xd: {  	s11 =	sor.u32 s19, s18;
	s20 =	sshrl.u32 s10, $0x2;
	s22 =	sadd.s32 s1, s8  }
0xe: {  	s4 =	sadd.s32 s16, s4;
	s5 =	ssub.s32 s17, s7;
	p0 =	por !p3, !p3  }
0xf: {  	p6 =	por !p1, !p1;
	s16 =	sadd.s32 $0x138800, s2;
	s17 =	sadd.s32 $0x12C000, s2  }
0x10: {  	s7 =	sadd.s32 s20, s2;
	[dreg:$0x6] =	wrdreg s22;
	p1 =	seq.s32 s3, $0x1  }
0x11: {  	s23 =	smul.u32 $0x500, s11;
	s24 =	sadd.s32 $0x16800, s9;
	s22 =	simm.s32 $0x14000  }
0x12: {  	s3 =	simm.s32 $0x16780;
	s4 =	sshrl.u32 s4, $0x3;
	[dreg:$0x7] =	wrdreg s24  }
0x13: {  	p2 =	por p2, p1;
	s11 =	smax.u32 s5, $0x1;
	p3 =	por !p6, p0  }
0x14: {  	s21 =	sshrl.u32 @p1 s7, $0x3;
	s24 =	simm.s32 $0x15400;
	s4 =	sadd.s32 s4, s0  }
0x15: {  	s0 =	sadd.s32 $0x3D900, s0;
	s12 =	sadd.s32 s6, s23;
	s26 =	sadd.s32 $0x280, s23  }
0x16: {  	s13 =	sadd.s32 s15, s23;
	s16 =	sshrl.u32 @!p3 s16, $0x3;
	s17 =	sshrl.u32 @!p3 s17, $0x3  }
0x17: {  	s23 =	simm.s32 $0x3;
	[dreg:$0x4] =	wrdreg s0;
	s25 =	sadd.s32 $0x3E800, s4  }
0x18: {  	s14 =	sadd.s32 s6, s26;
	s15 =	sadd.s32 s15, s26;
	s0 =	sshll.u32 @p0 s19, $0x6  }
0x19: {  	s26 =	simm.s32 $0x16800;
	s4 =	simm.s32 $0x0;
	[dreg:$0x8] =	wrdreg s25  }
0x1a: {  	s18 =	sor.u32 @p0 $0x1C02, s0;
	s0 =	sshll.u32 @p1 s19, $0x6;
	s19 =	sshrl.u32 @p0 s7, $0x3  }
0x1b: {  	s25 =	simm.s32 $0x80;
	s20 =	sor.u32 @p1 $0x1C02, s0;
	s0 =	simm.s32 $0x16700  }
.LBB2_1:
0x1c: {  	s5 =	simm.s32 @!p3 $0x1FC3;
	s6 =	rddreg [dreg:$0x4]  }
0x1d: {  	[spmem:s16], [sflag:s5] =	dma.local @!p3 [hbm:s6], $0xF00  }
0x1e: {  	s5 =	simm.s32 @!p3 $0x3  }
0x1f: {  	_ =	swait.ge @!p3 [sflag:s5], $0xF00  }
0x20: {  	[sflag:s5] =	ssyncset.done @!p3 $0x0  }
0x21: {  	s6 =	rddreg [dreg:$0x5];
	[sflag:s5] =	ssyncadd.s32 @!p3 $0xFFFFF100;
	s5 =	simm.s32 @!p3 $0x1FC2  }
0x22: {  	[spmem:s17], [sflag:s5] =	dma.local @!p3 [hbm:s6], $0x1900  }
0x23: {  	s5 =	rddreg [dreg:$0x6]  }
0x24: {  	[spmem:s19], [sflag:s18] =	dma.local @p0 [hbm:s5], $0x2800  }
0x25: {  	s10 =	simm.s32 $0x0;
	s5 =	rddreg [dreg:$0x7]  }
0x26: {  	[spmem:s21], [sflag:s20] =	dma.local @p1 [hbm:s5], $0x2800  }
0x27: {  	[tilespmem:s22], [sflag:$0x3] =	stream.linear.gather [hbm4b:s12+s10], $0x1400, $0x38;
	[tilespmem:$0x1E800] =	vst v63  }
0x28: {  	_ =	swait.ge [sflag:s23], $0x1400  }
0x29: {  	[sflag:s23] =	ssyncset.done $0x0  }
0x2a: {  	[sflag:s23] =	ssyncadd.s32 $0xFFFFEC00  }
0x2b: {  	[tilespmem:s24], [sflag:$0x3] =	stream.linear.gather [hbm4b:s13+s10], $0x1400, $0x38;
	[tilespmem:$0x1E800] =	vst v63  }
0x2c: {  	_ =	swait.ge [sflag:s23], $0x1400  }
0x2d: {  	p4 =	por @!p0 $0x0, $0x0;
	[sflag:s23] =	ssyncset.done $0x0  }
0x2e: {  	p5 =	por @!p3 $0x1, $0x1;
	s5 =	simm.s32 @p2 $0x2;
	[sflag:s23] =	ssyncadd.s32 $0xFFFFEC00  }
0x2f: {  	[tilespmem:s26], [sflag:$0x1] =	stream.indirect.gather [hbm4b:s1+s25], $0x80, s22, s25, $0xb8;
	[tilespmem:$0x1E800] =	vst v63  }
0x30: {  	p4 =	por @!p3 p5, p5;
	p5 =	por @p0 $0x0, $0x0;
	_ =	swait.ge @p2 [sflag:s5], $0x2800  }
0x31: {  	p5 =	por @!p0 p4, p4;
	[sflag:s5] =	ssyncset.done @p2 $0x0  }
0x32: {  	[sflag:s5] =	ssyncadd.s32 @p2 $0xFFFFD800;
	s5 =	simm.s32 @p5 $0x2  }
0x33: {  	_ =	swait.ge @p5 [sflag:s5], $0x1900  }
0x34: {  	[sflag:s5] =	ssyncset.done @p5 $0x0  }
0x35: {  	[sflag:s5] =	ssyncadd.s32 @p5 $0xFFFFE700  }
0x36: {  	s6 =	simm.s32 $0x14080;
	[bflag:$0x0] =	sbarrier.arrive $0xFFFF  }
0x37: {  	[tilespmem:s28], [sflag:$0x2] =	stream.indirect.gather [hbm4b:s1+s25], $0x80, s6, s25, $0xb8;
	[tilespmem:$0x1E800] =	vst v63  }
0x38: {  	_ =	swait.ge [sflag:s29], $0x4000  }
0x39: {  	[sflag:s29] =	ssyncset.done $0x0  }
0x3a: {  	s8 =	simm.s32 $0x15400;
	[sflag:s29] =	ssyncadd.s32 $0xFFFFC000  }
0x3b: {  	[spmem:s2] =	stream.indirect.scatter.add.f32 [tilespmem:s26], [sflag:$0x3], $0x80, s8, s25, $0xb8;
	[tilespmem:$0x1E800] =	vst v63  }
0x3c: {  	_ =	swait.ge [sflag:s23], $0x4000  }
0x3d: {  	[sflag:s23] =	ssyncset.done $0x0  }
0x3e: {  	s9 =	simm.s32 $0x14100;
	[sflag:s23] =	ssyncadd.s32 $0xFFFFC000  }
0x3f: {  	[tilespmem:s26], [sflag:$0x1] =	stream.indirect.gather [hbm4b:s1+s25], $0x80, s9, s25, $0xb8;
	[tilespmem:$0x1E800] =	vst v63  }
0x40: {  	_ =	swait.ge [sflag:s30], $0x4000  }
0x41: {  	[sflag:s30] =	ssyncset.done $0x0  }
0x42: {  	s10 =	simm.s32 $0x15480;
	[sflag:s30] =	ssyncadd.s32 $0xFFFFC000  }
0x43: {  	[spmem:s2] =	stream.indirect.scatter.add.f32 [tilespmem:s28], [sflag:$0x3], $0x80, s10, s25, $0xb8;
	[tilespmem:$0x1E800] =	vst v63  }
0x44: {  	_ =	swait.ge [sflag:s23], $0x4000  }
0x45: {  	s5 =	simm.s32 $0x100;
	s6 =	simm.s32 $0x800;
	[sflag:s23] =	ssyncset.done $0x0  }
.LBB2_2:
0x46: {  	s8 =	sadd.s32 $0x14080, s5  }
0x47: {  	[sflag:s23] =	ssyncadd.s32 $0xFFFFC000;
	s9 =	smov.u32 s6;
	s10 =	sadd.s32 $0x400, s6  }
0x48: {  	[tilespmem:s28], [sflag:$0x2] =	stream.indirect.gather [hbm4b:s1+s25], $0x80, s8, s25, $0xb8;
	[tilespmem:$0x1E800] =	vst v63  }
0x49: {  	p4 =	sne.s32 s6, $0x4800;
	_ =	swait.ge [sflag:s29], $0x4000  }
0x4a: {  	[sflag:s29] =	ssyncset.done $0x0  }
0x4b: {  	s6 =	sadd.s32 $0x15400, s5;
	[sflag:s29] =	ssyncadd.s32 $0xFFFFC000  }
0x4c: {  	[spmem:s2] =	stream.indirect.scatter.add.f32 [tilespmem:s26], [sflag:$0x3], $0x80, s6, s25, $0xb8;
	[tilespmem:$0x1E800] =	vst v63  }
0x4d: {  	_ =	swait.ge [sflag:s23], $0x4000  }
0x4e: {  	[sflag:s23] =	ssyncset.done $0x0  }
0x4f: {  	s6 =	sadd.s32 $0x14100, s5;
	[sflag:s23] =	ssyncadd.s32 $0xFFFFC000  }
0x50: {  	[tilespmem:s26], [sflag:$0x1] =	stream.indirect.gather [hbm4b:s1+s25], $0x80, s6, s25, $0xb8;
	[tilespmem:$0x1E800] =	vst v63  }
0x51: {  	_ =	swait.ge [sflag:s30], $0x4000  }
.Ltmp0:
0x52: {  	[sflag:s30] =	ssyncset.done $0x0;
	(pc) =	sbr.rel @p4 .LBB2_2-.Ltmp0, $4  }
0x53: {  	s5 =	sadd.s32 $0x15480, s5;
	[sflag:s30] =	ssyncadd.s32 $0xFFFFC000  }
0x54: {  	[spmem:s2] =	stream.indirect.scatter.add.f32 [tilespmem:s28], [sflag:$0x3], $0x80, s5, s25, $0xb8;
	[tilespmem:$0x1E800] =	vst v63  }
0x55: {  	_ =	swait.ge [sflag:s23], $0x4000  }
0x56: {  	s6 =	smov.u32 s10;
	s5 =	sshra.s32 s9, $0x2;
	[sflag:s23] =	ssyncset.done $0x0  }
0x57: {  	s6 =	sadd.s32 $0x14080, s5;
	[sflag:s23] =	ssyncadd.s32 $0xFFFFC000  }
0x58: {  	[tilespmem:s28], [sflag:$0x2] =	stream.indirect.gather [hbm4b:s1+s25], $0x80, s6, s25, $0xb8;
	[tilespmem:$0x1E800] =	vst v63  }
0x59: {  	_ =	swait.ge [sflag:s29], $0x4000  }
0x5a: {  	[sflag:s29] =	ssyncset.done $0x0  }
0x5b: {  	s10 =	sadd.s32 $0x15400, s5;
	[sflag:s29] =	ssyncadd.s32 $0xFFFFC000  }
0x5c: {  	[spmem:s2] =	stream.indirect.scatter.add.f32 [tilespmem:s26], [sflag:$0x3], $0x80, s10, s25, $0xb8;
	[tilespmem:$0x1E800] =	vst v63  }
0x5d: {  	_ =	swait.ge [sflag:s23], $0x4000  }
0x5e: {  	[sflag:s23] =	ssyncset.done $0x0  }
0x5f: {  	s8 =	sadd.s32 $0x14100, s5;
	[sflag:s23] =	ssyncadd.s32 $0xFFFFC000  }
0x60: {  	[tilespmem:s26], [sflag:$0x1] =	stream.indirect.gather [hbm4b:s1+s25], $0x80, s8, s25, $0xb8;
	[tilespmem:$0x1E800] =	vst v63  }
0x61: {  	_ =	swait.ge [sflag:s30], $0x4000  }
0x62: {  	[sflag:s30] =	ssyncset.done $0x0  }
0x63: {  	s9 =	sadd.s32 $0x15480, s5;
	[sflag:s30] =	ssyncadd.s32 $0xFFFFC000  }
0x64: {  	[spmem:s2] =	stream.indirect.scatter.add.f32 [tilespmem:s28], [sflag:$0x3], $0x80, s9, s25, $0xb8;
	[tilespmem:$0x1E800] =	vst v63  }
0x65: {  	_ =	swait.ge [sflag:s23], $0x4000  }
0x66: {  	[sflag:s23] =	ssyncset.done $0x0  }
0x67: {  	[sflag:s23] =	ssyncadd.s32 $0xFFFFC000  }
0x68: {  	[tilespmem:s28], [sflag:$0x2] =	stream.indirect.gather [hbm4b:s1+s25], $0x80, s31, s25, $0xb8;
	[tilespmem:$0x1E800] =	vst v63  }
0x69: {  	_ =	swait.ge [sflag:s29], $0x4000  }
0x6a: {  	[sflag:s29] =	ssyncset.done $0x0  }
0x6b: {  	[sflag:s29] =	ssyncadd.s32 $0xFFFFC000  }
0x6c: {  	[spmem:s2] =	stream.indirect.scatter.add.f32 [tilespmem:s26], [sflag:$0x3], $0x80, s0, s25, $0xb8;
	[tilespmem:$0x1E800] =	vst v63  }
0x6d: {  	_ =	swait.ge [sflag:s23], $0x4000  }
0x6e: {  	[sflag:s23] =	ssyncset.done $0x0  }
0x6f: {  	[sflag:s23] =	ssyncadd.s32 $0xFFFFC000  }
0x70: {  	_ =	swait.ge [sflag:s30], $0x4000  }
0x71: {  	[sflag:s30] =	ssyncset.done $0x0  }
0x72: {  	[sflag:s30] =	ssyncadd.s32 $0xFFFFC000  }
0x73: {  	[spmem:s2] =	stream.indirect.scatter.add.f32 [tilespmem:s28], [sflag:$0x3], $0x80, s3, s25, $0xb8;
	[tilespmem:$0x1E800] =	vst v63  }
0x74: {  	_ =	swait.ge [sflag:s23], $0x4000  }
0x75: {  	[sflag:s23] =	ssyncset.done $0x0  }
0x76: {  	s10 =	simm.s32 $0x0;
	[sflag:s23] =	ssyncadd.s32 $0xFFFFC000  }
0x77: {  	[tilespmem:s22], [sflag:$0x3] =	stream.linear.gather [hbm4b:s14+s10], $0x1400, $0x38;
	[tilespmem:$0x1E800] =	vst v63  }
0x78: {  	_ =	swait.ge [sflag:s23], $0x1400  }
0x79: {  	[sflag:s23] =	ssyncset.done $0x0  }
0x7a: {  	[sflag:s23] =	ssyncadd.s32 $0xFFFFEC00  }
0x7b: {  	[tilespmem:s24], [sflag:$0x3] =	stream.linear.gather [hbm4b:s15+s10], $0x1400, $0x38;
	[tilespmem:$0x1E800] =	vst v63  }
0x7c: {  	_ =	swait.ge [sflag:s23], $0x1400  }
0x7d: {  	[sflag:s23] =	ssyncset.done $0x0  }
0x7e: {  	[sflag:s23] =	ssyncadd.s32 $0xFFFFEC00  }
0x7f: {  	[tilespmem:s26], [sflag:$0x1] =	stream.indirect.gather [hbm4b:s1+s25], $0x80, s22, s25, $0xb8;
	[tilespmem:$0x1E800] =	vst v63  }
0x80: {  	s6 =	simm.s32 $0x14080  }
0x81: {  	[tilespmem:s28], [sflag:$0x2] =	stream.indirect.gather [hbm4b:s1+s25], $0x80, s6, s25, $0xb8;
	[tilespmem:$0x1E800] =	vst v63  }
0x82: {  	_ =	swait.ge [sflag:s29], $0x4000  }
0x83: {  	[sflag:s29] =	ssyncset.done $0x0  }
0x84: {  	s8 =	simm.s32 $0x15400;
	[sflag:s29] =	ssyncadd.s32 $0xFFFFC000  }
0x85: {  	[spmem:s2] =	stream.indirect.scatter.add.f32 [tilespmem:s26], [sflag:$0x3], $0x80, s8, s25, $0xb8;
	[tilespmem:$0x1E800] =	vst v63  }
0x86: {  	_ =	swait.ge [sflag:s23], $0x4000  }
0x87: {  	[sflag:s23] =	ssyncset.done $0x0  }
0x88: {  	s9 =	simm.s32 $0x14100;
	[sflag:s23] =	ssyncadd.s32 $0xFFFFC000  }
0x89: {  	[tilespmem:s26], [sflag:$0x1] =	stream.indirect.gather [hbm4b:s1+s25], $0x80, s9, s25, $0xb8;
	[tilespmem:$0x1E800] =	vst v63  }
0x8a: {  	_ =	swait.ge [sflag:s30], $0x4000  }
0x8b: {  	[sflag:s30] =	ssyncset.done $0x0  }
0x8c: {  	s10 =	simm.s32 $0x15480;
	[sflag:s30] =	ssyncadd.s32 $0xFFFFC000  }
0x8d: {  	[spmem:s2] =	stream.indirect.scatter.add.f32 [tilespmem:s28], [sflag:$0x3], $0x80, s10, s25, $0xb8;
	[tilespmem:$0x1E800] =	vst v63  }
0x8e: {  	_ =	swait.ge [sflag:s23], $0x4000  }
0x8f: {  	s5 =	simm.s32 $0x100;
	s6 =	simm.s32 $0x800;
	[sflag:s23] =	ssyncset.done $0x0  }
.LBB2_4:
0x90: {  	s8 =	sadd.s32 $0x14080, s5  }
0x91: {  	[sflag:s23] =	ssyncadd.s32 $0xFFFFC000;
	s9 =	smov.u32 s6;
	s10 =	sadd.s32 $0x400, s6  }
0x92: {  	[tilespmem:s28], [sflag:$0x2] =	stream.indirect.gather [hbm4b:s1+s25], $0x80, s8, s25, $0xb8;
	[tilespmem:$0x1E800] =	vst v63  }
0x93: {  	p4 =	sne.s32 s6, $0x4800;
	_ =	swait.ge [sflag:s29], $0x4000  }
0x94: {  	[sflag:s29] =	ssyncset.done $0x0  }
0x95: {  	s6 =	sadd.s32 $0x15400, s5;
	[sflag:s29] =	ssyncadd.s32 $0xFFFFC000  }
0x96: {  	[spmem:s2] =	stream.indirect.scatter.add.f32 [tilespmem:s26], [sflag:$0x3], $0x80, s6, s25, $0xb8;
	[tilespmem:$0x1E800] =	vst v63  }
0x97: {  	_ =	swait.ge [sflag:s23], $0x4000  }
0x98: {  	[sflag:s23] =	ssyncset.done $0x0  }
0x99: {  	s6 =	sadd.s32 $0x14100, s5;
	[sflag:s23] =	ssyncadd.s32 $0xFFFFC000  }
0x9a: {  	[tilespmem:s26], [sflag:$0x1] =	stream.indirect.gather [hbm4b:s1+s25], $0x80, s6, s25, $0xb8;
	[tilespmem:$0x1E800] =	vst v63  }
0x9b: {  	_ =	swait.ge [sflag:s30], $0x4000  }
.Ltmp1:
0x9c: {  	[sflag:s30] =	ssyncset.done $0x0;
	(pc) =	sbr.rel @p4 .LBB2_4-.Ltmp1, $4  }
0x9d: {  	s5 =	sadd.s32 $0x15480, s5;
	[sflag:s30] =	ssyncadd.s32 $0xFFFFC000  }
0x9e: {  	[spmem:s2] =	stream.indirect.scatter.add.f32 [tilespmem:s28], [sflag:$0x3], $0x80, s5, s25, $0xb8;
	[tilespmem:$0x1E800] =	vst v63  }
0x9f: {  	_ =	swait.ge [sflag:s23], $0x4000  }
0xa0: {  	s6 =	smov.u32 s10;
	s5 =	sshra.s32 s9, $0x2;
	[sflag:s23] =	ssyncset.done $0x0  }
0xa1: {  	s6 =	sadd.s32 $0x14080, s5;
	[sflag:s23] =	ssyncadd.s32 $0xFFFFC000  }
0xa2: {  	[tilespmem:s28], [sflag:$0x2] =	stream.indirect.gather [hbm4b:s1+s25], $0x80, s6, s25, $0xb8;
	[tilespmem:$0x1E800] =	vst v63  }
0xa3: {  	_ =	swait.ge [sflag:s29], $0x4000  }
0xa4: {  	[sflag:s29] =	ssyncset.done $0x0  }
0xa5: {  	s9 =	sadd.s32 $0x15400, s5;
	[sflag:s29] =	ssyncadd.s32 $0xFFFFC000  }
0xa6: {  	[spmem:s2] =	stream.indirect.scatter.add.f32 [tilespmem:s26], [sflag:$0x3], $0x80, s9, s25, $0xb8;
	[tilespmem:$0x1E800] =	vst v63  }
0xa7: {  	_ =	swait.ge [sflag:s23], $0x4000  }
0xa8: {  	[sflag:s23] =	ssyncset.done $0x0  }
0xa9: {  	s10 =	sadd.s32 $0x14100, s5;
	[sflag:s23] =	ssyncadd.s32 $0xFFFFC000  }
0xaa: {  	[tilespmem:s26], [sflag:$0x1] =	stream.indirect.gather [hbm4b:s1+s25], $0x80, s10, s25, $0xb8;
	[tilespmem:$0x1E800] =	vst v63  }
0xab: {  	_ =	swait.ge [sflag:s30], $0x4000  }
0xac: {  	[sflag:s30] =	ssyncset.done $0x0  }
0xad: {  	s8 =	sadd.s32 $0x15480, s5;
	[sflag:s30] =	ssyncadd.s32 $0xFFFFC000  }
0xae: {  	[spmem:s2] =	stream.indirect.scatter.add.f32 [tilespmem:s28], [sflag:$0x3], $0x80, s8, s25, $0xb8;
	[tilespmem:$0x1E800] =	vst v63  }
0xaf: {  	_ =	swait.ge [sflag:s23], $0x4000  }
0xb0: {  	[sflag:s23] =	ssyncset.done $0x0  }
0xb1: {  	[sflag:s23] =	ssyncadd.s32 $0xFFFFC000  }
0xb2: {  	[tilespmem:s28], [sflag:$0x2] =	stream.indirect.gather [hbm4b:s1+s25], $0x80, s31, s25, $0xb8;
	[tilespmem:$0x1E800] =	vst v63  }
0xb3: {  	_ =	swait.ge [sflag:s29], $0x4000  }
0xb4: {  	[sflag:s29] =	ssyncset.done $0x0  }
0xb5: {  	[sflag:s29] =	ssyncadd.s32 $0xFFFFC000  }
0xb6: {  	[spmem:s2] =	stream.indirect.scatter.add.f32 [tilespmem:s26], [sflag:$0x3], $0x80, s0, s25, $0xb8;
	[tilespmem:$0x1E800] =	vst v63  }
0xb7: {  	_ =	swait.ge [sflag:s23], $0x4000  }
0xb8: {  	[sflag:s23] =	ssyncset.done $0x0  }
0xb9: {  	[sflag:s23] =	ssyncadd.s32 $0xFFFFC000  }
0xba: {  	_ =	swait.ge [sflag:s30], $0x4000  }
0xbb: {  	[sflag:s30] =	ssyncset.done $0x0  }
0xbc: {  	[sflag:s30] =	ssyncadd.s32 $0xFFFFC000  }
0xbd: {  	[spmem:s2] =	stream.indirect.scatter.add.f32 [tilespmem:s28], [sflag:$0x3], $0x80, s3, s25, $0xb8;
	[tilespmem:$0x1E800] =	vst v63  }
0xbe: {  	_ =	swait.ge [sflag:s23], $0x4000  }
0xbf: {  	s9 =	stileid.u32;
	[sflag:s23] =	ssyncset.done $0x0  }
0xc0: {  	s4 =	sadd.s32 $0x1, s4;
	s5 =	sshll.u32 s9, $0x6;
	[sflag:s23] =	ssyncadd.s32 $0xFFFFC000  }
0xc1: {  	p4 =	sne.s32 s4, s11;
	s5 =	sor.u32 $0x1C03, s5;
	[bflag:$0x0] =	sbarrier.arrive $0xFFFF  }
.Ltmp2:
0xc2: {  	s10 =	sshrl.u32 s7, $0x3;
	s8 =	rddreg [dreg:$0x8];
	(pc) =	sbr.rel @p4 .LBB2_1-.Ltmp2, $4  }
0xc3: {  	[hbm:s8], [sflag:s5] =	dma.local [spmem:s10], $0x2800  }
0xc4: {  	_ =	swait.ge [sflag:s23], $0x2800  }
0xc5: {  	[sflag:s23] =	ssyncset.done $0x0  }
0xc6: {  	[sflag:s23] =	ssyncadd.s32 $0xFFFFD800  }
0xc7: {  	_ =	sfence.sel $0x180000  }
0xc8: {  	[bflag:$0x0] =	sbarrier.arrive $0xFFFF  }
0xc9: {  	_ =	strace $0x90000047  }
0xca: {  	s0 =	stileid.u32;
	[bflag:$0x2] =	sbarrier.arrive $0xFFFF  }
0xcb: {  	p0 =	sne.s32 s0, $0x0;
	s0 =	rddreg [dreg:$0x3]  }
0xcc: {  	s0 =	sadd.s32 @!p0 $0x100000, s0  }
0xcd: {  	[sflag:s0] =	ssyncadd.tile.s32 @!p0 $0x1;
	_ =	shalt  }
.Lfunc_end2:
_tile_overlayer_lowered:
.L_overlay_start_2:
0xce: {  	(tag) =	ssettag $0x2  }
0xcf: {  	s0 =	rddreg [dreg:$0x0];
	s2 =	stileid.u32  }
0xd0: {  	s1 =	rddreg [dreg:$0x1];
	p0 =	sne.s32 s2, $0x0  }
0xd1: {  	s3 =	rddreg [dreg:$0x2];
	[bflag:$0x3] =	sbarrier.arrive $0xFFFF;
	s2 =	simm.s32 @!p0 $0x1C03  }
0xd2: {  	[timem:s3], [sflag:s2] =	dma.local @!p0 [hbm:s0], s1  }
0xd3: {  	s0 =	simm.s32 @!p0 $0x3  }
0xd4: {  	_ =	swait.ge @!p0 [sflag:s0], s1  }
0xd5: {  	s1 =	ssub.s32 @!p0 $0x0, s1;
	[sflag:s0] =	ssyncset.done @!p0 $0x0  }
0xd6: {  	[sflag:s0] =	ssyncadd.s32 @!p0 s1  }
0xd7: {  	[bflag:$0x3] =	sbarrier.arrive $0xFFFF  }
0xd8: {  	_ =	shalt  }

</sc_bundles>
